<compile_context>
chip_gen: v7x
topology: tpu7x:2x2x1
jax: 0.10.2.dev20260603
libtpu: 0.0.44.dev20260713+nightly
codegen_flags: <defaults>
</compile_context>

<pallas_src>
import jax
import jax.numpy as jnp
from jax import lax
from jax.experimental import pallas as pl
from jax.experimental.pallas import tpu as pltpu
from jax.experimental.pallas import tpu_sc as plsc

DIM = 256
B = 16384
NUM_CARDS = 7
NUM_ROWS = 52
KPAD = 64

NC = 2
NS = 16
NW = NC * NS
L = 16

B_PER_W = B // NW
GROUPS = B_PER_W // L
DJ = DIM // L


def _sc_hist(idx_hbm, card_hbm, rank_hbm, suit_hbm, cnt_hbm, tab_hbm,
             idx_v, cnt_v, tab_v, rank_v, suit_v):
    wid = lax.axis_index("s") * NC + lax.axis_index("c")
    base = wid * B_PER_W

    pltpu.sync_copy(idx_hbm.at[pl.ds(base * NUM_CARDS, B_PER_W * NUM_CARDS)],
                    idx_v)

    iot = jax.lax.broadcasted_iota(jnp.int32, (L,), 0)
    zeros = jnp.zeros((L,), jnp.float32)
    ones = jnp.ones((L,), jnp.float32)

    def zero_body(i, _):
        for u in range(8):
            cnt_v[pl.ds((i * 8 + u) * L, L)] = zeros
        return 0
    lax.fori_loop(0, B_PER_W * KPAD // (8 * L), zero_body, 0, unroll=False)

    iot7 = iot * NUM_CARDS
    iot64 = iot * KPAD
    def hist_body(g, _):
        a7 = g * (L * NUM_CARDS) + iot7
        bbase = g * (L * KPAD) + iot64
        for c in range(NUM_CARDS):
            v = plsc.load_gather(idx_v, [a7 + c])
            plsc.addupdate_scatter(cnt_v, [bbase + v], ones)
        return 0
    lax.fori_loop(0, GROUPS, hist_body, 0, unroll=False)

    pltpu.sync_copy(cnt_v, cnt_hbm.at[pl.ds(base * KPAD, B_PER_W * KPAD)])

    @pl.when(wid == 0)
    def _():
        pltpu.sync_copy(card_hbm, tab_v.at[pl.ds(0, NUM_ROWS * DIM)])
        pltpu.sync_copy(rank_hbm, rank_v)
        pltpu.sync_copy(suit_hbm, suit_v)
        cols = [iot + L * j for j in range(DJ)]

        def build_row(i, _):
            rb = (i >> 2) * DIM
            sb = (i & 3) * DIM
            tb = i * DIM
            for j in range(DJ):
                t = plsc.load_gather(tab_v, [tb + cols[j]])
                r = plsc.load_gather(rank_v, [rb + cols[j]])
                s = plsc.load_gather(suit_v, [sb + cols[j]])
                plsc.store_scatter(tab_v, [tb + cols[j]], t + r + s)
            return 0
        lax.fori_loop(0, NUM_ROWS, build_row, 0, unroll=False)

        def pad_row(i, _):
            for j in range(DJ):
                tab_v[pl.ds(i * DIM + L * j, L)] = zeros
            return 0
        lax.fori_loop(NUM_ROWS, KPAD, pad_row, 0, unroll=False)
        pltpu.sync_copy(tab_v, tab_hbm)


def _tc_matmul(cnt_ref, tab_ref, out_ref):
    out_ref[...] = jnp.dot(cnt_ref[...], tab_ref[...],
                           preferred_element_type=jnp.float32)


BLK = 2048


@jax.jit
def kernel(input, card, rank, suit):
    idx = input.astype(jnp.int32).reshape(-1)
    mesh = plsc.VectorSubcoreMesh(core_axis_name="c", subcore_axis_name="s",
                                  num_cores=NC, num_subcores=NS)
    sc_call = pl.kernel(
        _sc_hist,
        out_type=(
            jax.ShapeDtypeStruct((B * KPAD,), jnp.float32),
            jax.ShapeDtypeStruct((KPAD * DIM,), jnp.float32),
        ),
        mesh=mesh,
        scratch_types=[
            pltpu.VMEM((B_PER_W * NUM_CARDS,), jnp.int32),
            pltpu.VMEM((B_PER_W * KPAD,), jnp.float32),
            pltpu.VMEM((KPAD * DIM,), jnp.float32),
            pltpu.VMEM((13 * DIM,), jnp.float32),
            pltpu.VMEM((4 * DIM,), jnp.float32),
        ],
        compiler_params=pltpu.CompilerParams(
            needs_layout_passes=False,
            use_tc_tiling_on_sc=False,
        ),
    )
    counts, tab = sc_call(idx, card.reshape(-1), rank.reshape(-1),
                          suit.reshape(-1))
    counts = counts.reshape(B, KPAD)
    tab = tab.reshape(KPAD, DIM)
    return pl.pallas_call(
        _tc_matmul,
        grid=(B // BLK,),
        in_specs=[
            pl.BlockSpec((BLK, KPAD), lambda i: (i, 0)),
            pl.BlockSpec((KPAD, DIM), lambda i: (0, 0)),
        ],
        out_specs=pl.BlockSpec((BLK, DIM), lambda i: (i, 0)),
        out_shape=jax.ShapeDtypeStruct((B, DIM), jnp.float32),
    )(counts, tab)

# --- scband reference (transcript-rebuilt; emitter-appended) ---
"""Pipeline reference for scband-card-embedding-35923106463775 (READ-ONLY COPY).

The authoritative reference and input builder live on the scoring server;
editing this copy changes nothing except your own understanding.
"""

import jax, jax.numpy as jnp
import numpy as np

DIM = 256
B = 16384
NUM_CARDS = 7

def setup_inputs(seed: int = 0) -> dict:
    key = jax.random.key(seed)
    k1, k2, k3, k4 = jax.random.split(key, 4)
    inp = jax.random.randint(k1, (B, NUM_CARDS), 0, 52, dtype=jnp.int64)
    card = jax.random.normal(k2, (52, DIM), dtype=jnp.float32)
    rank = jax.random.normal(k3, (13, DIM), dtype=jnp.float32)
    suit = jax.random.normal(k4, (4, DIM), dtype=jnp.float32)
    return {"input": inp, "card": card, "rank": rank, "suit": suit}

def reference(input, card, rank, suit):
    Bsz, num_cards = input.shape
    x = input.reshape(-1)
    valid = (x >= 0).astype(jnp.float32)
    x = jnp.clip(x, 0, None).astype(jnp.int64)
    embs = jnp.take(card, x, axis=0) + jnp.take(rank, x // 4, axis=0) + jnp.take(suit, x % 4, axis=0)
    embs = embs * valid[:, None]
    return embs.reshape(Bsz, num_cards, -1).sum(axis=1)

if __name__ == "__main__":
    import jax
    _d = setup_inputs()
    print(jax.jit(kernel)(*tuple(_d.values())))

</pallas_src>

<mosaic_0001>
#map = affine_map<(d0, d1) -> (0)>
module attributes {stable_mosaic.version = 14 : i64} {
  func.func @_sc_hist(%arg0: i32, %arg1: i32, %arg2: memref<114688xi32, #tpu.memory_space<hbm>>, %arg3: memref<13312xf32, #tpu.memory_space<hbm>>, %arg4: memref<3328xf32, #tpu.memory_space<hbm>>, %arg5: memref<1024xf32, #tpu.memory_space<hbm>>, %arg6: memref<1048576xf32, #tpu.memory_space<hbm>>, %arg7: memref<16384xf32, #tpu.memory_space<hbm>>, %arg8: memref<3584xi32, #tpu.memory_space<vmem>>, %arg9: memref<32768xf32, #tpu.memory_space<vmem>>, %arg10: memref<16384xf32, #tpu.memory_space<vmem>>, %arg11: memref<3328xf32, #tpu.memory_space<vmem>>, %arg12: memref<1024xf32, #tpu.memory_space<vmem>>) attributes {dimension_semantics = [#tpu.dimension_semantics<core_parallel>, #tpu.dimension_semantics<subcore_parallel>], iteration_bounds = array<i64: 2, 16>, scalar_prefetch = 0 : i64, scratch_operands = 5 : i64, tpu.core_type = #tpu.core_type<sc_vector_subcore>, window_params = [{transform_indices = #map}, {transform_indices = #map}, {transform_indices = #map}, {transform_indices = #map}, {transform_indices = #map}, {transform_indices = #map}]} {
    %mul3A = arith.constant 2 : i32
    %mul3A_0 = arith.muli %arg1, %mul3A : i32
    %add3A = arith.addi %mul3A_0, %arg0 : i32
    %mul3A_1 = arith.constant 512 : i32
    %mul3A_2 = arith.muli %add3A, %mul3A_1 : i32
    %mul3A_3 = arith.constant 7 : i32
    %mul3A_4 = arith.muli %mul3A_2, %mul3A_3 : i32
    "tpu.region"() ({
      %run_scoped3A = tpu.sem_alloc : memref<!tpu.dma_semaphore, #tpu.memory_space<semaphore_mem>>
      %dma_start3A = tpu.memref_slice %arg2[%mul3A_4] : memref<114688xi32, #tpu.memory_space<hbm>> -> memref<3584xi32, #tpu.memory_space<hbm>>
      %dma_start3A_31 = tpu.memref_slice %arg2[%mul3A_4] : memref<114688xi32, #tpu.memory_space<hbm>> -> memref<3584xi32, #tpu.memory_space<hbm>>
      tpu.enqueue_dma source(%dma_start3A_31 : memref<3584xi32, #tpu.memory_space<hbm>>) target(%arg8 : memref<3584xi32, #tpu.memory_space<vmem>>) target_semaphore(%run_scoped3A : memref<!tpu.dma_semaphore, #tpu.memory_space<semaphore_mem>>)
      %dma_wait3A = tpu.memref_slice %arg2[%mul3A_4] : memref<114688xi32, #tpu.memory_space<hbm>> -> memref<3584xi32, #tpu.memory_space<hbm>>
      %dma_wait3A_32 = tpu.memref_slice %arg2[%mul3A_4] : memref<114688xi32, #tpu.memory_space<hbm>> -> memref<3584xi32, #tpu.memory_space<hbm>>
      tpu.wait_dma2 semaphore(%run_scoped3A : memref<!tpu.dma_semaphore, #tpu.memory_space<semaphore_mem>>) src(%dma_wait3A_32 : memref<3584xi32, #tpu.memory_space<hbm>>) dst(%arg8 : memref<3584xi32, #tpu.memory_space<vmem>>)
      tpu.yield
    }) : () -> ()
    %iota3A = tpu.iota {dimensions = array<i32: 0>} : vector<16xi32>
    %broadcast_in_dim3A = arith.constant 0.000000e+00 : f32
    %broadcast_in_dim3A_5 = vector.broadcast %broadcast_in_dim3A : f32 to vector<16xf32>
    %broadcast_in_dim3A_6 = arith.constant 1.000000e+00 : f32
    %broadcast_in_dim3A_7 = vector.broadcast %broadcast_in_dim3A_6 : f32 to vector<16xf32>
    %scan3A = arith.constant 0 : i32
    %scan3A_8 = arith.constant 0 : i32
    %scan3A_9 = arith.constant 256 : i32
    %scan3A_10 = arith.addi %scan3A_8, %scan3A_9 : i32
    %scan3A_11 = arith.constant 1 : i32
    %scan3A_12 = scf.for %scan3A_31 = %scan3A_8 to %scan3A_10 step %scan3A_11 iter_args(%scan3A_32 = %scan3A) -> (i32)  : i32 {
      %mul3A_33 = arith.constant 8 : i32
      %mul3A_34 = arith.muli %scan3A_31, %mul3A_33 : i32
      %add3A_35 = arith.constant 0 : i32
      %add3A_36 = arith.addi %mul3A_34, %add3A_35 : i32
      %mul3A_37 = arith.constant 16 : i32
      %mul3A_38 = arith.muli %add3A_36, %mul3A_37 : i32
      %swap3A = arith.index_cast %mul3A_38 : i32 to index
      %swap3A_39 = tpu.vector_load %arg9[%swap3A] {strides = array<i32>} : memref<32768xf32, #tpu.memory_space<vmem>>, vector<16xf32>,
      tpu.vector_store %arg9[%swap3A], %broadcast_in_dim3A_5 {strides = array<i32>} : memref<32768xf32, #tpu.memory_space<vmem>>, vector<16xf32>,
      %mul3A_40 = arith.constant 8 : i32
      %mul3A_41 = arith.muli %scan3A_31, %mul3A_40 : i32
      %add3A_42 = arith.constant 1 : i32
      %add3A_43 = arith.addi %mul3A_41, %add3A_42 : i32
      %mul3A_44 = arith.constant 16 : i32
      %mul3A_45 = arith.muli %add3A_43, %mul3A_44 : i32
      %swap3A_46 = arith.index_cast %mul3A_45 : i32 to index
      %swap3A_47 = tpu.vector_load %arg9[%swap3A_46] {strides = array<i32>} : memref<32768xf32, #tpu.memory_space<vmem>>, vector<16xf32>,
      tpu.vector_store %arg9[%swap3A_46], %broadcast_in_dim3A_5 {strides = array<i32>} : memref<32768xf32, #tpu.memory_space<vmem>>, vector<16xf32>,
      %mul3A_48 = arith.constant 8 : i32
      %mul3A_49 = arith.muli %scan3A_31, %mul3A_48 : i32
      %add3A_50 = arith.constant 2 : i32
      %add3A_51 = arith.addi %mul3A_49, %add3A_50 : i32
      %mul3A_52 = arith.constant 16 : i32
      %mul3A_53 = arith.muli %add3A_51, %mul3A_52 : i32
      %swap3A_54 = arith.index_cast %mul3A_53 : i32 to index
      %swap3A_55 = tpu.vector_load %arg9[%swap3A_54] {strides = array<i32>} : memref<32768xf32, #tpu.memory_space<vmem>>, vector<16xf32>,
      tpu.vector_store %arg9[%swap3A_54], %broadcast_in_dim3A_5 {strides = array<i32>} : memref<32768xf32, #tpu.memory_space<vmem>>, vector<16xf32>,
      %mul3A_56 = arith.constant 8 : i32
      %mul3A_57 = arith.muli %scan3A_31, %mul3A_56 : i32
      %add3A_58 = arith.constant 3 : i32
      %add3A_59 = arith.addi %mul3A_57, %add3A_58 : i32
      %mul3A_60 = arith.constant 16 : i32
      %mul3A_61 = arith.muli %add3A_59, %mul3A_60 : i32
      %swap3A_62 = arith.index_cast %mul3A_61 : i32 to index
      %swap3A_63 = tpu.vector_load %arg9[%swap3A_62] {strides = array<i32>} : memref<32768xf32, #tpu.memory_space<vmem>>, vector<16xf32>,
      tpu.vector_store %arg9[%swap3A_62], %broadcast_in_dim3A_5 {strides = array<i32>} : memref<32768xf32, #tpu.memory_space<vmem>>, vector<16xf32>,
      %mul3A_64 = arith.constant 8 : i32
      %mul3A_65 = arith.muli %scan3A_31, %mul3A_64 : i32
      %add3A_66 = arith.constant 4 : i32
      %add3A_67 = arith.addi %mul3A_65, %add3A_66 : i32
      %mul3A_68 = arith.constant 16 : i32
      %mul3A_69 = arith.muli %add3A_67, %mul3A_68 : i32
      %swap3A_70 = arith.index_cast %mul3A_69 : i32 to index
      %swap3A_71 = tpu.vector_load %arg9[%swap3A_70] {strides = array<i32>} : memref<32768xf32, #tpu.memory_space<vmem>>, vector<16xf32>,
      tpu.vector_store %arg9[%swap3A_70], %broadcast_in_dim3A_5 {strides = array<i32>} : memref<32768xf32, #tpu.memory_space<vmem>>, vector<16xf32>,
      %mul3A_72 = arith.constant 8 : i32
      %mul3A_73 = arith.muli %scan3A_31, %mul3A_72 : i32
      %add3A_74 = arith.constant 5 : i32
      %add3A_75 = arith.addi %mul3A_73, %add3A_74 : i32
      %mul3A_76 = arith.constant 16 : i32
      %mul3A_77 = arith.muli %add3A_75, %mul3A_76 : i32
      %swap3A_78 = arith.index_cast %mul3A_77 : i32 to index
      %swap3A_79 = tpu.vector_load %arg9[%swap3A_78] {strides = array<i32>} : memref<32768xf32, #tpu.memory_space<vmem>>, vector<16xf32>,
      tpu.vector_store %arg9[%swap3A_78], %broadcast_in_dim3A_5 {strides = array<i32>} : memref<32768xf32, #tpu.memory_space<vmem>>, vector<16xf32>,
      %mul3A_80 = arith.constant 8 : i32
      %mul3A_81 = arith.muli %scan3A_31, %mul3A_80 : i32
      %add3A_82 = arith.constant 6 : i32
      %add3A_83 = arith.addi %mul3A_81, %add3A_82 : i32
      %mul3A_84 = arith.constant 16 : i32
      %mul3A_85 = arith.muli %add3A_83, %mul3A_84 : i32
      %swap3A_86 = arith.index_cast %mul3A_85 : i32 to index
      %swap3A_87 = tpu.vector_load %arg9[%swap3A_86] {strides = array<i32>} : memref<32768xf32, #tpu.memory_space<vmem>>, vector<16xf32>,
      tpu.vector_store %arg9[%swap3A_86], %broadcast_in_dim3A_5 {strides = array<i32>} : memref<32768xf32, #tpu.memory_space<vmem>>, vector<16xf32>,
      %mul3A_88 = arith.constant 8 : i32
      %mul3A_89 = arith.muli %scan3A_31, %mul3A_88 : i32
      %add3A_90 = arith.constant 7 : i32
      %add3A_91 = arith.addi %mul3A_89, %add3A_90 : i32
      %mul3A_92 = arith.constant 16 : i32
      %mul3A_93 = arith.muli %add3A_91, %mul3A_92 : i32
      %swap3A_94 = arith.index_cast %mul3A_93 : i32 to index
      %swap3A_95 = tpu.vector_load %arg9[%swap3A_94] {strides = array<i32>} : memref<32768xf32, #tpu.memory_space<vmem>>, vector<16xf32>,
      tpu.vector_store %arg9[%swap3A_94], %broadcast_in_dim3A_5 {strides = array<i32>} : memref<32768xf32, #tpu.memory_space<vmem>>, vector<16xf32>,
      %scan3A_96 = arith.constant 0 : i32
      scf.yield %scan3A_96 : i32
    }
    %scan3A_13 = arith.constant 256 : i32
    %mul3A_14 = arith.constant 7 : i32
    %mul3A_15 = vector.broadcast %mul3A_14 : i32 to vector<16xi32>
    %mul3A_16 = arith.muli %iota3A, %mul3A_15 : vector<16xi32>
    %mul3A_17 = arith.constant 64 : i32
    %mul3A_18 = vector.broadcast %mul3A_17 : i32 to vector<16xi32>
    %mul3A_19 = arith.muli %iota3A, %mul3A_18 : vector<16xi32>
    %scan3A_20 = arith.constant 0 : i32
    %scan3A_21 = arith.constant 0 : i32
    %scan3A_22 = arith.constant 32 : i32
    %scan3A_23 = arith.addi %scan3A_21, %scan3A_22 : i32
    %scan3A_24 = arith.constant 1 : i32
    %scan3A_25 = scf.for %scan3A_31 = %scan3A_21 to %scan3A_23 step %scan3A_24 iter_args(%scan3A_32 = %scan3A_20) -> (i32)  : i32 {
      %mul3A_33 = arith.constant 112 : i32
      %mul3A_34 = arith.muli %scan3A_31, %mul3A_33 : i32
      %add3A_35 = vector.broadcast %mul3A_34 : i32 to vector<16xi32>
      %add3A_36 = arith.addi %add3A_35, %mul3A_16 : vector<16xi32>
      %mul3A_37 = arith.constant 1024 : i32
      %mul3A_38 = arith.muli %scan3A_31, %mul3A_37 : i32
      %add3A_39 = vector.broadcast %mul3A_38 : i32 to vector<16xi32>
      %add3A_40 = arith.addi %add3A_39, %mul3A_19 : vector<16xi32>
      %add3A_41 = arith.constant 0 : i32
      %add3A_42 = vector.broadcast %add3A_41 : i32 to vector<16xi32>
      %add3A_43 = arith.addi %add3A_36, %add3A_42 : vector<16xi32>
      %gather3A = tpu.vector_load_idx %arg8[%add3A_43] : memref<3584xi32, #tpu.memory_space<vmem>>[vector<16xi32>], vector<16xi32>,
      %add3A_44 = arith.addi %add3A_40, %gather3A : vector<16xi32>
      tpu.vector_store_idx %arg9[%add3A_44], %broadcast_in_dim3A_7 {add = true} : memref<32768xf32, #tpu.memory_space<vmem>>[vector<16xi32>], vector<16xf32>,
      %add3A_45 = arith.constant 1 : i32
      %add3A_46 = vector.broadcast %add3A_45 : i32 to vector<16xi32>
      %add3A_47 = arith.addi %add3A_36, %add3A_46 : vector<16xi32>
      %gather3A_48 = tpu.vector_load_idx %arg8[%add3A_47] : memref<3584xi32, #tpu.memory_space<vmem>>[vector<16xi32>], vector<16xi32>,
      %add3A_49 = arith.addi %add3A_40, %gather3A_48 : vector<16xi32>
      tpu.vector_store_idx %arg9[%add3A_49], %broadcast_in_dim3A_7 {add = true} : memref<32768xf32, #tpu.memory_space<vmem>>[vector<16xi32>], vector<16xf32>,
      %add3A_50 = arith.constant 2 : i32
      %add3A_51 = vector.broadcast %add3A_50 : i32 to vector<16xi32>
      %add3A_52 = arith.addi %add3A_36, %add3A_51 : vector<16xi32>
      %gather3A_53 = tpu.vector_load_idx %arg8[%add3A_52] : memref<3584xi32, #tpu.memory_space<vmem>>[vector<16xi32>], vector<16xi32>,
      %add3A_54 = arith.addi %add3A_40, %gather3A_53 : vector<16xi32>
      tpu.vector_store_idx %arg9[%add3A_54], %broadcast_in_dim3A_7 {add = true} : memref<32768xf32, #tpu.memory_space<vmem>>[vector<16xi32>], vector<16xf32>,
      %add3A_55 = arith.constant 3 : i32
      %add3A_56 = vector.broadcast %add3A_55 : i32 to vector<16xi32>
      %add3A_57 = arith.addi %add3A_36, %add3A_56 : vector<16xi32>
      %gather3A_58 = tpu.vector_load_idx %arg8[%add3A_57] : memref<3584xi32, #tpu.memory_space<vmem>>[vector<16xi32>], vector<16xi32>,
      %add3A_59 = arith.addi %add3A_40, %gather3A_58 : vector<16xi32>
      tpu.vector_store_idx %arg9[%add3A_59], %broadcast_in_dim3A_7 {add = true} : memref<32768xf32, #tpu.memory_space<vmem>>[vector<16xi32>], vector<16xf32>,
      %add3A_60 = arith.constant 4 : i32
      %add3A_61 = vector.broadcast %add3A_60 : i32 to vector<16xi32>
      %add3A_62 = arith.addi %add3A_36, %add3A_61 : vector<16xi32>
      %gather3A_63 = tpu.vector_load_idx %arg8[%add3A_62] : memref<3584xi32, #tpu.memory_space<vmem>>[vector<16xi32>], vector<16xi32>,
      %add3A_64 = arith.addi %add3A_40, %gather3A_63 : vector<16xi32>
      tpu.vector_store_idx %arg9[%add3A_64], %broadcast_in_dim3A_7 {add = true} : memref<32768xf32, #tpu.memory_space<vmem>>[vector<16xi32>], vector<16xf32>,
      %add3A_65 = arith.constant 5 : i32
      %add3A_66 = vector.broadcast %add3A_65 : i32 to vector<16xi32>
      %add3A_67 = arith.addi %add3A_36, %add3A_66 : vector<16xi32>
      %gather3A_68 = tpu.vector_load_idx %arg8[%add3A_67] : memref<3584xi32, #tpu.memory_space<vmem>>[vector<16xi32>], vector<16xi32>,
      %add3A_69 = arith.addi %add3A_40, %gather3A_68 : vector<16xi32>
      tpu.vector_store_idx %arg9[%add3A_69], %broadcast_in_dim3A_7 {add = true} : memref<32768xf32, #tpu.memory_space<vmem>>[vector<16xi32>], vector<16xf32>,
      %add3A_70 = arith.constant 6 : i32
      %add3A_71 = vector.broadcast %add3A_70 : i32 to vector<16xi32>
      %add3A_72 = arith.addi %add3A_36, %add3A_71 : vector<16xi32>
      %gather3A_73 = tpu.vector_load_idx %arg8[%add3A_72] : memref<3584xi32, #tpu.memory_space<vmem>>[vector<16xi32>], vector<16xi32>,
      %add3A_74 = arith.addi %add3A_40, %gather3A_73 : vector<16xi32>
      tpu.vector_store_idx %arg9[%add3A_74], %broadcast_in_dim3A_7 {add = true} : memref<32768xf32, #tpu.memory_space<vmem>>[vector<16xi32>], vector<16xf32>,
      %scan3A_75 = arith.constant 0 : i32
      scf.yield %scan3A_75 : i32
    }
    %scan3A_26 = arith.constant 32 : i32
    %mul3A_27 = arith.constant 64 : i32
    %mul3A_28 = arith.muli %mul3A_2, %mul3A_27 : i32
    "tpu.region"() ({
      %run_scoped3A = tpu.sem_alloc : memref<!tpu.dma_semaphore, #tpu.memory_space<semaphore_mem>>
      %dma_start3A = tpu.memref_slice %arg6[%mul3A_28] : memref<1048576xf32, #tpu.memory_space<hbm>> -> memref<32768xf32, #tpu.memory_space<hbm>>
      %dma_start3A_31 = tpu.memref_slice %arg6[%mul3A_28] : memref<1048576xf32, #tpu.memory_space<hbm>> -> memref<32768xf32, #tpu.memory_space<hbm>>
      tpu.enqueue_dma source(%arg9 : memref<32768xf32, #tpu.memory_space<vmem>>) target(%dma_start3A_31 : memref<32768xf32, #tpu.memory_space<hbm>>) target_semaphore(%run_scoped3A : memref<!tpu.dma_semaphore, #tpu.memory_space<semaphore_mem>>)
      %dma_wait3A = tpu.memref_slice %arg6[%mul3A_28] : memref<1048576xf32, #tpu.memory_space<hbm>> -> memref<32768xf32, #tpu.memory_space<hbm>>
      %dma_wait3A_32 = tpu.memref_slice %arg6[%mul3A_28] : memref<1048576xf32, #tpu.memory_space<hbm>> -> memref<32768xf32, #tpu.memory_space<hbm>>
      tpu.wait_dma2 semaphore(%run_scoped3A : memref<!tpu.dma_semaphore, #tpu.memory_space<semaphore_mem>>) src(%arg9 : memref<32768xf32, #tpu.memory_space<vmem>>) dst(%dma_wait3A_32 : memref<32768xf32, #tpu.memory_space<hbm>>)
      tpu.yield
    }) : () -> ()
    %eq3A = arith.constant 0 : i32
    %eq3A_29 = arith.cmpi eq, %add3A, %eq3A : i32
    %convert_element_type3A = arith.extui %eq3A_29 : i1 to i32
    %cond3A = arith.constant 0 : i32
    %cond3A_30 = arith.cmpi ne, %convert_element_type3A, %cond3A : i32
    scf.if %cond3A_30 {
      "tpu.region"() ({
        %run_scoped3A = tpu.sem_alloc : memref<!tpu.dma_semaphore, #tpu.memory_space<semaphore_mem>>
        %dma_start3A = arith.constant 0 : i32
        %dma_start3A_93 = tpu.memref_slice %arg10[%dma_start3A] : memref<16384xf32, #tpu.memory_space<vmem>> -> memref<13312xf32, #tpu.memory_space<vmem>>
        %dma_start3A_94 = arith.constant 0 : i32
        %dma_start3A_95 = tpu.memref_slice %arg10[%dma_start3A_94] : memref<16384xf32, #tpu.memory_space<vmem>> -> memref<13312xf32, #tpu.memory_space<vmem>>
        tpu.enqueue_dma source(%arg3 : memref<13312xf32, #tpu.memory_space<hbm>>) target(%dma_start3A_95 : memref<13312xf32, #tpu.memory_space<vmem>>) target_semaphore(%run_scoped3A : memref<!tpu.dma_semaphore, #tpu.memory_space<semaphore_mem>>)
        %dma_wait3A = arith.constant 0 : i32
        %dma_wait3A_96 = tpu.memref_slice %arg10[%dma_wait3A] : memref<16384xf32, #tpu.memory_space<vmem>> -> memref<13312xf32, #tpu.memory_space<vmem>>
        %dma_wait3A_97 = arith.constant 0 : i32
        %dma_wait3A_98 = tpu.memref_slice %arg10[%dma_wait3A_97] : memref<16384xf32, #tpu.memory_space<vmem>> -> memref<13312xf32, #tpu.memory_space<vmem>>
        tpu.wait_dma2 semaphore(%run_scoped3A : memref<!tpu.dma_semaphore, #tpu.memory_space<semaphore_mem>>) src(%arg3 : memref<13312xf32, #tpu.memory_space<hbm>>) dst(%dma_wait3A_98 : memref<13312xf32, #tpu.memory_space<vmem>>)
        tpu.yield
      }) : () -> ()
      "tpu.region"() ({
        %run_scoped3A = tpu.sem_alloc : memref<!tpu.dma_semaphore, #tpu.memory_space<semaphore_mem>>
        tpu.enqueue_dma source(%arg4 : memref<3328xf32, #tpu.memory_space<hbm>>) target(%arg11 : memref<3328xf32, #tpu.memory_space<vmem>>) target_semaphore(%run_scoped3A : memref<!tpu.dma_semaphore, #tpu.memory_space<semaphore_mem>>)
        tpu.wait_dma2 semaphore(%run_scoped3A : memref<!tpu.dma_semaphore, #tpu.memory_space<semaphore_mem>>) src(%arg4 : memref<3328xf32, #tpu.memory_space<hbm>>) dst(%arg11 : memref<3328xf32, #tpu.memory_space<vmem>>)
        tpu.yield
      }) : () -> ()
      "tpu.region"() ({
        %run_scoped3A = tpu.sem_alloc : memref<!tpu.dma_semaphore, #tpu.memory_space<semaphore_mem>>
        tpu.enqueue_dma source(%arg5 : memref<1024xf32, #tpu.memory_space<hbm>>) target(%arg12 : memref<1024xf32, #tpu.memory_space<vmem>>) target_semaphore(%run_scoped3A : memref<!tpu.dma_semaphore, #tpu.memory_space<semaphore_mem>>)
        tpu.wait_dma2 semaphore(%run_scoped3A : memref<!tpu.dma_semaphore, #tpu.memory_space<semaphore_mem>>) src(%arg5 : memref<1024xf32, #tpu.memory_space<hbm>>) dst(%arg12 : memref<1024xf32, #tpu.memory_space<vmem>>)
        tpu.yield
      }) : () -> ()
      %add3A_31 = arith.constant 0 : i32
      %add3A_32 = vector.broadcast %add3A_31 : i32 to vector<16xi32>
      %add3A_33 = arith.addi %iota3A, %add3A_32 : vector<16xi32>
      %add3A_34 = arith.constant 16 : i32
      %add3A_35 = vector.broadcast %add3A_34 : i32 to vector<16xi32>
      %add3A_36 = arith.addi %iota3A, %add3A_35 : vector<16xi32>
      %add3A_37 = arith.constant 32 : i32
      %add3A_38 = vector.broadcast %add3A_37 : i32 to vector<16xi32>
      %add3A_39 = arith.addi %iota3A, %add3A_38 : vector<16xi32>
      %add3A_40 = arith.constant 48 : i32
      %add3A_41 = vector.broadcast %add3A_40 : i32 to vector<16xi32>
      %add3A_42 = arith.addi %iota3A, %add3A_41 : vector<16xi32>
      %add3A_43 = arith.constant 64 : i32
      %add3A_44 = vector.broadcast %add3A_43 : i32 to vector<16xi32>
      %add3A_45 = arith.addi %iota3A, %add3A_44 : vector<16xi32>
      %add3A_46 = arith.constant 80 : i32
      %add3A_47 = vector.broadcast %add3A_46 : i32 to vector<16xi32>
      %add3A_48 = arith.addi %iota3A, %add3A_47 : vector<16xi32>
      %add3A_49 = arith.constant 96 : i32
      %add3A_50 = vector.broadcast %add3A_49 : i32 to vector<16xi32>
      %add3A_51 = arith.addi %iota3A, %add3A_50 : vector<16xi32>
      %add3A_52 = arith.constant 112 : i32
      %add3A_53 = vector.broadcast %add3A_52 : i32 to vector<16xi32>
      %add3A_54 = arith.addi %iota3A, %add3A_53 : vector<16xi32>
      %add3A_55 = arith.constant 128 : i32
      %add3A_56 = vector.broadcast %add3A_55 : i32 to vector<16xi32>
      %add3A_57 = arith.addi %iota3A, %add3A_56 : vector<16xi32>
      %add3A_58 = arith.constant 144 : i32
      %add3A_59 = vector.broadcast %add3A_58 : i32 to vector<16xi32>
      %add3A_60 = arith.addi %iota3A, %add3A_59 : vector<16xi32>
      %add3A_61 = arith.constant 160 : i32
      %add3A_62 = vector.broadcast %add3A_61 : i32 to vector<16xi32>
      %add3A_63 = arith.addi %iota3A, %add3A_62 : vector<16xi32>
      %add3A_64 = arith.constant 176 : i32
      %add3A_65 = vector.broadcast %add3A_64 : i32 to vector<16xi32>
      %add3A_66 = arith.addi %iota3A, %add3A_65 : vector<16xi32>
      %add3A_67 = arith.constant 192 : i32
      %add3A_68 = vector.broadcast %add3A_67 : i32 to vector<16xi32>
      %add3A_69 = arith.addi %iota3A, %add3A_68 : vector<16xi32>
      %add3A_70 = arith.constant 208 : i32
      %add3A_71 = vector.broadcast %add3A_70 : i32 to vector<16xi32>
      %add3A_72 = arith.addi %iota3A, %add3A_71 : vector<16xi32>
      %add3A_73 = arith.constant 224 : i32
      %add3A_74 = vector.broadcast %add3A_73 : i32 to vector<16xi32>
      %add3A_75 = arith.addi %iota3A, %add3A_74 : vector<16xi32>
      %add3A_76 = arith.constant 240 : i32
      %add3A_77 = vector.broadcast %add3A_76 : i32 to vector<16xi32>
      %add3A_78 = arith.addi %iota3A, %add3A_77 : vector<16xi32>
      %scan3A_79 = arith.constant 0 : i32
      %scan3A_80 = arith.constant 0 : i32
      %scan3A_81 = arith.constant 52 : i32
      %scan3A_82 = arith.addi %scan3A_80, %scan3A_81 : i32
      %scan3A_83 = arith.constant 1 : i32
      %scan3A_84 = scf.for %scan3A_93 = %scan3A_80 to %scan3A_82 step %scan3A_83 iter_args(%scan3A_94 = %scan3A_79) -> (i32)  : i32 {
        %shift_right_arithmetic3A = arith.constant 2 : i32
        %shift_right_arithmetic3A_95 = arith.shrsi %scan3A_93, %shift_right_arithmetic3A : i32
        %mul3A_96 = arith.constant 256 : i32
        %mul3A_97 = arith.muli %shift_right_arithmetic3A_95, %mul3A_96 : i32
        %and3A = arith.constant 3 : i32
        %and3A_98 = arith.andi %scan3A_93, %and3A : i32
        %mul3A_99 = arith.constant 256 : i32
        %mul3A_100 = arith.muli %and3A_98, %mul3A_99 : i32
        %mul3A_101 = arith.constant 256 : i32
        %mul3A_102 = arith.muli %scan3A_93, %mul3A_101 : i32
        %add3A_103 = vector.broadcast %mul3A_102 : i32 to vector<16xi32>
        %add3A_104 = arith.addi %add3A_103, %add3A_33 : vector<16xi32>
        %gather3A = tpu.vector_load_idx %arg10[%add3A_104] : memref<16384xf32, #tpu.memory_space<vmem>>[vector<16xi32>], vector<16xf32>,
        %add3A_105 = vector.broadcast %mul3A_97 : i32 to vector<16xi32>
        %add3A_106 = arith.addi %add3A_105, %add3A_33 : vector<16xi32>
        %gather3A_107 = tpu.vector_load_idx %arg11[%add3A_106] : memref<3328xf32, #tpu.memory_space<vmem>>[vector<16xi32>], vector<16xf32>,
        %add3A_108 = vector.broadcast %mul3A_100 : i32 to vector<16xi32>
        %add3A_109 = arith.addi %add3A_108, %add3A_33 : vector<16xi32>
        %gather3A_110 = tpu.vector_load_idx %arg12[%add3A_109] : memref<1024xf32, #tpu.memory_space<vmem>>[vector<16xi32>], vector<16xf32>,
        %add3A_111 = vector.broadcast %mul3A_102 : i32 to vector<16xi32>
        %add3A_112 = arith.addi %add3A_111, %add3A_33 : vector<16xi32>
        %add3A_113 = arith.addf %gather3A, %gather3A_107 : vector<16xf32>
        %add3A_114 = arith.addf %add3A_113, %gather3A_110 : vector<16xf32>
        tpu.vector_store_idx %arg10[%add3A_112], %add3A_114 : memref<16384xf32, #tpu.memory_space<vmem>>[vector<16xi32>], vector<16xf32>,
        %add3A_115 = vector.broadcast %mul3A_102 : i32 to vector<16xi32>
        %add3A_116 = arith.addi %add3A_115, %add3A_36 : vector<16xi32>
        %gather3A_117 = tpu.vector_load_idx %arg10[%add3A_116] : memref<16384xf32, #tpu.memory_space<vmem>>[vector<16xi32>], vector<16xf32>,
        %add3A_118 = vector.broadcast %mul3A_97 : i32 to vector<16xi32>
        %add3A_119 = arith.addi %add3A_118, %add3A_36 : vector<16xi32>
        %gather3A_120 = tpu.vector_load_idx %arg11[%add3A_119] : memref<3328xf32, #tpu.memory_space<vmem>>[vector<16xi32>], vector<16xf32>,
        %add3A_121 = vector.broadcast %mul3A_100 : i32 to vector<16xi32>
        %add3A_122 = arith.addi %add3A_121, %add3A_36 : vector<16xi32>
        %gather3A_123 = tpu.vector_load_idx %arg12[%add3A_122] : memref<1024xf32, #tpu.memory_space<vmem>>[vector<16xi32>], vector<16xf32>,
        %add3A_124 = vector.broadcast %mul3A_102 : i32 to vector<16xi32>
        %add3A_125 = arith.addi %add3A_124, %add3A_36 : vector<16xi32>
        %add3A_126 = arith.addf %gather3A_117, %gather3A_120 : vector<16xf32>
        %add3A_127 = arith.addf %add3A_126, %gather3A_123 : vector<16xf32>
        tpu.vector_store_idx %arg10[%add3A_125], %add3A_127 : memref<16384xf32, #tpu.memory_space<vmem>>[vector<16xi32>], vector<16xf32>,
        %add3A_128 = vector.broadcast %mul3A_102 : i32 to vector<16xi32>
        %add3A_129 = arith.addi %add3A_128, %add3A_39 : vector<16xi32>
        %gather3A_130 = tpu.vector_load_idx %arg10[%add3A_129] : memref<16384xf32, #tpu.memory_space<vmem>>[vector<16xi32>], vector<16xf32>,
        %add3A_131 = vector.broadcast %mul3A_97 : i32 to vector<16xi32>
        %add3A_132 = arith.addi %add3A_131, %add3A_39 : vector<16xi32>
        %gather3A_133 = tpu.vector_load_idx %arg11[%add3A_132] : memref<3328xf32, #tpu.memory_space<vmem>>[vector<16xi32>], vector<16xf32>,
        %add3A_134 = vector.broadcast %mul3A_100 : i32 to vector<16xi32>
        %add3A_135 = arith.addi %add3A_134, %add3A_39 : vector<16xi32>
        %gather3A_136 = tpu.vector_load_idx %arg12[%add3A_135] : memref<1024xf32, #tpu.memory_space<vmem>>[vector<16xi32>], vector<16xf32>,
        %add3A_137 = vector.broadcast %mul3A_102 : i32 to vector<16xi32>
        %add3A_138 = arith.addi %add3A_137, %add3A_39 : vector<16xi32>
        %add3A_139 = arith.addf %gather3A_130, %gather3A_133 : vector<16xf32>
        %add3A_140 = arith.addf %add3A_139, %gather3A_136 : vector<16xf32>
        tpu.vector_store_idx %arg10[%add3A_138], %add3A_140 : memref<16384xf32, #tpu.memory_space<vmem>>[vector<16xi32>], vector<16xf32>,
        %add3A_141 = vector.broadcast %mul3A_102 : i32 to vector<16xi32>
        %add3A_142 = arith.addi %add3A_141, %add3A_42 : vector<16xi32>
        %gather3A_143 = tpu.vector_load_idx %arg10[%add3A_142] : memref<16384xf32, #tpu.memory_space<vmem>>[vector<16xi32>], vector<16xf32>,
        %add3A_144 = vector.broadcast %mul3A_97 : i32 to vector<16xi32>
        %add3A_145 = arith.addi %add3A_144, %add3A_42 : vector<16xi32>
        %gather3A_146 = tpu.vector_load_idx %arg11[%add3A_145] : memref<3328xf32, #tpu.memory_space<vmem>>[vector<16xi32>], vector<16xf32>,
        %add3A_147 = vector.broadcast %mul3A_100 : i32 to vector<16xi32>
        %add3A_148 = arith.addi %add3A_147, %add3A_42 : vector<16xi32>
        %gather3A_149 = tpu.vector_load_idx %arg12[%add3A_148] : memref<1024xf32, #tpu.memory_space<vmem>>[vector<16xi32>], vector<16xf32>,
        %add3A_150 = vector.broadcast %mul3A_102 : i32 to vector<16xi32>
        %add3A_151 = arith.addi %add3A_150, %add3A_42 : vector<16xi32>
        %add3A_152 = arith.addf %gather3A_143, %gather3A_146 : vector<16xf32>
        %add3A_153 = arith.addf %add3A_152, %gather3A_149 : vector<16xf32>
        tpu.vector_store_idx %arg10[%add3A_151], %add3A_153 : memref<16384xf32, #tpu.memory_space<vmem>>[vector<16xi32>], vector<16xf32>,
        %add3A_154 = vector.broadcast %mul3A_102 : i32 to vector<16xi32>
        %add3A_155 = arith.addi %add3A_154, %add3A_45 : vector<16xi32>
        %gather3A_156 = tpu.vector_load_idx %arg10[%add3A_155] : memref<16384xf32, #tpu.memory_space<vmem>>[vector<16xi32>], vector<16xf32>,
        %add3A_157 = vector.broadcast %mul3A_97 : i32 to vector<16xi32>
        %add3A_158 = arith.addi %add3A_157, %add3A_45 : vector<16xi32>
        %gather3A_159 = tpu.vector_load_idx %arg11[%add3A_158] : memref<3328xf32, #tpu.memory_space<vmem>>[vector<16xi32>], vector<16xf32>,
        %add3A_160 = vector.broadcast %mul3A_100 : i32 to vector<16xi32>
        %add3A_161 = arith.addi %add3A_160, %add3A_45 : vector<16xi32>
        %gather3A_162 = tpu.vector_load_idx %arg12[%add3A_161] : memref<1024xf32, #tpu.memory_space<vmem>>[vector<16xi32>], vector<16xf32>,
        %add3A_163 = vector.broadcast %mul3A_102 : i32 to vector<16xi32>
        %add3A_164 = arith.addi %add3A_163, %add3A_45 : vector<16xi32>
        %add3A_165 = arith.addf %gather3A_156, %gather3A_159 : vector<16xf32>
        %add3A_166 = arith.addf %add3A_165, %gather3A_162 : vector<16xf32>
        tpu.vector_store_idx %arg10[%add3A_164], %add3A_166 : memref<16384xf32, #tpu.memory_space<vmem>>[vector<16xi32>], vector<16xf32>,
        %add3A_167 = vector.broadcast %mul3A_102 : i32 to vector<16xi32>
        %add3A_168 = arith.addi %add3A_167, %add3A_48 : vector<16xi32>
        %gather3A_169 = tpu.vector_load_idx %arg10[%add3A_168] : memref<16384xf32, #tpu.memory_space<vmem>>[vector<16xi32>], vector<16xf32>,
        %add3A_170 = vector.broadcast %mul3A_97 : i32 to vector<16xi32>
        %add3A_171 = arith.addi %add3A_170, %add3A_48 : vector<16xi32>
        %gather3A_172 = tpu.vector_load_idx %arg11[%add3A_171] : memref<3328xf32, #tpu.memory_space<vmem>>[vector<16xi32>], vector<16xf32>,
        %add3A_173 = vector.broadcast %mul3A_100 : i32 to vector<16xi32>
        %add3A_174 = arith.addi %add3A_173, %add3A_48 : vector<16xi32>
        %gather3A_175 = tpu.vector_load_idx %arg12[%add3A_174] : memref<1024xf32, #tpu.memory_space<vmem>>[vector<16xi32>], vector<16xf32>,
        %add3A_176 = vector.broadcast %mul3A_102 : i32 to vector<16xi32>
        %add3A_177 = arith.addi %add3A_176, %add3A_48 : vector<16xi32>
        %add3A_178 = arith.addf %gather3A_169, %gather3A_172 : vector<16xf32>
        %add3A_179 = arith.addf %add3A_178, %gather3A_175 : vector<16xf32>
        tpu.vector_store_idx %arg10[%add3A_177], %add3A_179 : memref<16384xf32, #tpu.memory_space<vmem>>[vector<16xi32>], vector<16xf32>,
        %add3A_180 = vector.broadcast %mul3A_102 : i32 to vector<16xi32>
        %add3A_181 = arith.addi %add3A_180, %add3A_51 : vector<16xi32>
        %gather3A_182 = tpu.vector_load_idx %arg10[%add3A_181] : memref<16384xf32, #tpu.memory_space<vmem>>[vector<16xi32>], vector<16xf32>,
        %add3A_183 = vector.broadcast %mul3A_97 : i32 to vector<16xi32>
        %add3A_184 = arith.addi %add3A_183, %add3A_51 : vector<16xi32>
        %gather3A_185 = tpu.vector_load_idx %arg11[%add3A_184] : memref<3328xf32, #tpu.memory_space<vmem>>[vector<16xi32>], vector<16xf32>,
        %add3A_186 = vector.broadcast %mul3A_100 : i32 to vector<16xi32>
        %add3A_187 = arith.addi %add3A_186, %add3A_51 : vector<16xi32>
        %gather3A_188 = tpu.vector_load_idx %arg12[%add3A_187] : memref<1024xf32, #tpu.memory_space<vmem>>[vector<16xi32>], vector<16xf32>,
        %add3A_189 = vector.broadcast %mul3A_102 : i32 to vector<16xi32>
        %add3A_190 = arith.addi %add3A_189, %add3A_51 : vector<16xi32>
        %add3A_191 = arith.addf %gather3A_182, %gather3A_185 : vector<16xf32>
        %add3A_192 = arith.addf %add3A_191, %gather3A_188 : vector<16xf32>
        tpu.vector_store_idx %arg10[%add3A_190], %add3A_192 : memref<16384xf32, #tpu.memory_space<vmem>>[vector<16xi32>], vector<16xf32>,
        %add3A_193 = vector.broadcast %mul3A_102 : i32 to vector<16xi32>
        %add3A_194 = arith.addi %add3A_193, %add3A_54 : vector<16xi32>
        %gather3A_195 = tpu.vector_load_idx %arg10[%add3A_194] : memref<16384xf32, #tpu.memory_space<vmem>>[vector<16xi32>], vector<16xf32>,
        %add3A_196 = vector.broadcast %mul3A_97 : i32 to vector<16xi32>
        %add3A_197 = arith.addi %add3A_196, %add3A_54 : vector<16xi32>
        %gather3A_198 = tpu.vector_load_idx %arg11[%add3A_197] : memref<3328xf32, #tpu.memory_space<vmem>>[vector<16xi32>], vector<16xf32>,
        %add3A_199 = vector.broadcast %mul3A_100 : i32 to vector<16xi32>
        %add3A_200 = arith.addi %add3A_199, %add3A_54 : vector<16xi32>
        %gather3A_201 = tpu.vector_load_idx %arg12[%add3A_200] : memref<1024xf32, #tpu.memory_space<vmem>>[vector<16xi32>], vector<16xf32>,
        %add3A_202 = vector.broadcast %mul3A_102 : i32 to vector<16xi32>
        %add3A_203 = arith.addi %add3A_202, %add3A_54 : vector<16xi32>
        %add3A_204 = arith.addf %gather3A_195, %gather3A_198 : vector<16xf32>
        %add3A_205 = arith.addf %add3A_204, %gather3A_201 : vector<16xf32>
        tpu.vector_store_idx %arg10[%add3A_203], %add3A_205 : memref<16384xf32, #tpu.memory_space<vmem>>[vector<16xi32>], vector<16xf32>,
        %add3A_206 = vector.broadcast %mul3A_102 : i32 to vector<16xi32>
        %add3A_207 = arith.addi %add3A_206, %add3A_57 : vector<16xi32>
        %gather3A_208 = tpu.vector_load_idx %arg10[%add3A_207] : memref<16384xf32, #tpu.memory_space<vmem>>[vector<16xi32>], vector<16xf32>,
        %add3A_209 = vector.broadcast %mul3A_97 : i32 to vector<16xi32>
        %add3A_210 = arith.addi %add3A_209, %add3A_57 : vector<16xi32>
        %gather3A_211 = tpu.vector_load_idx %arg11[%add3A_210] : memref<3328xf32, #tpu.memory_space<vmem>>[vector<16xi32>], vector<16xf32>,
        %add3A_212 = vector.broadcast %mul3A_100 : i32 to vector<16xi32>
        %add3A_213 = arith.addi %add3A_212, %add3A_57 : vector<16xi32>
        %gather3A_214 = tpu.vector_load_idx %arg12[%add3A_213] : memref<1024xf32, #tpu.memory_space<vmem>>[vector<16xi32>], vector<16xf32>,
        %add3A_215 = vector.broadcast %mul3A_102 : i32 to vector<16xi32>
        %add3A_216 = arith.addi %add3A_215, %add3A_57 : vector<16xi32>
        %add3A_217 = arith.addf %gather3A_208, %gather3A_211 : vector<16xf32>
        %add3A_218 = arith.addf %add3A_217, %gather3A_214 : vector<16xf32>
        tpu.vector_store_idx %arg10[%add3A_216], %add3A_218 : memref<16384xf32, #tpu.memory_space<vmem>>[vector<16xi32>], vector<16xf32>,
        %add3A_219 = vector.broadcast %mul3A_102 : i32 to vector<16xi32>
        %add3A_220 = arith.addi %add3A_219, %add3A_60 : vector<16xi32>
        %gather3A_221 = tpu.vector_load_idx %arg10[%add3A_220] : memref<16384xf32, #tpu.memory_space<vmem>>[vector<16xi32>], vector<16xf32>,
        %add3A_222 = vector.broadcast %mul3A_97 : i32 to vector<16xi32>
        %add3A_223 = arith.addi %add3A_222, %add3A_60 : vector<16xi32>
        %gather3A_224 = tpu.vector_load_idx %arg11[%add3A_223] : memref<3328xf32, #tpu.memory_space<vmem>>[vector<16xi32>], vector<16xf32>,
        %add3A_225 = vector.broadcast %mul3A_100 : i32 to vector<16xi32>
        %add3A_226 = arith.addi %add3A_225, %add3A_60 : vector<16xi32>
        %gather3A_227 = tpu.vector_load_idx %arg12[%add3A_226] : memref<1024xf32, #tpu.memory_space<vmem>>[vector<16xi32>], vector<16xf32>,
        %add3A_228 = vector.broadcast %mul3A_102 : i32 to vector<16xi32>
        %add3A_229 = arith.addi %add3A_228, %add3A_60 : vector<16xi32>
        %add3A_230 = arith.addf %gather3A_221, %gather3A_224 : vector<16xf32>
        %add3A_231 = arith.addf %add3A_230, %gather3A_227 : vector<16xf32>
        tpu.vector_store_idx %arg10[%add3A_229], %add3A_231 : memref<16384xf32, #tpu.memory_space<vmem>>[vector<16xi32>], vector<16xf32>,
        %add3A_232 = vector.broadcast %mul3A_102 : i32 to vector<16xi32>
        %add3A_233 = arith.addi %add3A_232, %add3A_63 : vector<16xi32>
        %gather3A_234 = tpu.vector_load_idx %arg10[%add3A_233] : memref<16384xf32, #tpu.memory_space<vmem>>[vector<16xi32>], vector<16xf32>,
        %add3A_235 = vector.broadcast %mul3A_97 : i32 to vector<16xi32>
        %add3A_236 = arith.addi %add3A_235, %add3A_63 : vector<16xi32>
        %gather3A_237 = tpu.vector_load_idx %arg11[%add3A_236] : memref<3328xf32, #tpu.memory_space<vmem>>[vector<16xi32>], vector<16xf32>,
        %add3A_238 = vector.broadcast %mul3A_100 : i32 to vector<16xi32>
        %add3A_239 = arith.addi %add3A_238, %add3A_63 : vector<16xi32>
        %gather3A_240 = tpu.vector_load_idx %arg12[%add3A_239] : memref<1024xf32, #tpu.memory_space<vmem>>[vector<16xi32>], vector<16xf32>,
        %add3A_241 = vector.broadcast %mul3A_102 : i32 to vector<16xi32>
        %add3A_242 = arith.addi %add3A_241, %add3A_63 : vector<16xi32>
        %add3A_243 = arith.addf %gather3A_234, %gather3A_237 : vector<16xf32>
        %add3A_244 = arith.addf %add3A_243, %gather3A_240 : vector<16xf32>
        tpu.vector_store_idx %arg10[%add3A_242], %add3A_244 : memref<16384xf32, #tpu.memory_space<vmem>>[vector<16xi32>], vector<16xf32>,
        %add3A_245 = vector.broadcast %mul3A_102 : i32 to vector<16xi32>
        %add3A_246 = arith.addi %add3A_245, %add3A_66 : vector<16xi32>
        %gather3A_247 = tpu.vector_load_idx %arg10[%add3A_246] : memref<16384xf32, #tpu.memory_space<vmem>>[vector<16xi32>], vector<16xf32>,
        %add3A_248 = vector.broadcast %mul3A_97 : i32 to vector<16xi32>
        %add3A_249 = arith.addi %add3A_248, %add3A_66 : vector<16xi32>
        %gather3A_250 = tpu.vector_load_idx %arg11[%add3A_249] : memref<3328xf32, #tpu.memory_space<vmem>>[vector<16xi32>], vector<16xf32>,
        %add3A_251 = vector.broadcast %mul3A_100 : i32 to vector<16xi32>
        %add3A_252 = arith.addi %add3A_251, %add3A_66 : vector<16xi32>
        %gather3A_253 = tpu.vector_load_idx %arg12[%add3A_252] : memref<1024xf32, #tpu.memory_space<vmem>>[vector<16xi32>], vector<16xf32>,
        %add3A_254 = vector.broadcast %mul3A_102 : i32 to vector<16xi32>
        %add3A_255 = arith.addi %add3A_254, %add3A_66 : vector<16xi32>
        %add3A_256 = arith.addf %gather3A_247, %gather3A_250 : vector<16xf32>
        %add3A_257 = arith.addf %add3A_256, %gather3A_253 : vector<16xf32>
        tpu.vector_store_idx %arg10[%add3A_255], %add3A_257 : memref<16384xf32, #tpu.memory_space<vmem>>[vector<16xi32>], vector<16xf32>,
        %add3A_258 = vector.broadcast %mul3A_102 : i32 to vector<16xi32>
        %add3A_259 = arith.addi %add3A_258, %add3A_69 : vector<16xi32>
        %gather3A_260 = tpu.vector_load_idx %arg10[%add3A_259] : memref<16384xf32, #tpu.memory_space<vmem>>[vector<16xi32>], vector<16xf32>,
        %add3A_261 = vector.broadcast %mul3A_97 : i32 to vector<16xi32>
        %add3A_262 = arith.addi %add3A_261, %add3A_69 : vector<16xi32>
        %gather3A_263 = tpu.vector_load_idx %arg11[%add3A_262] : memref<3328xf32, #tpu.memory_space<vmem>>[vector<16xi32>], vector<16xf32>,
        %add3A_264 = vector.broadcast %mul3A_100 : i32 to vector<16xi32>
        %add3A_265 = arith.addi %add3A_264, %add3A_69 : vector<16xi32>
        %gather3A_266 = tpu.vector_load_idx %arg12[%add3A_265] : memref<1024xf32, #tpu.memory_space<vmem>>[vector<16xi32>], vector<16xf32>,
        %add3A_267 = vector.broadcast %mul3A_102 : i32 to vector<16xi32>
        %add3A_268 = arith.addi %add3A_267, %add3A_69 : vector<16xi32>
        %add3A_269 = arith.addf %gather3A_260, %gather3A_263 : vector<16xf32>
        %add3A_270 = arith.addf %add3A_269, %gather3A_266 : vector<16xf32>
        tpu.vector_store_idx %arg10[%add3A_268], %add3A_270 : memref<16384xf32, #tpu.memory_space<vmem>>[vector<16xi32>], vector<16xf32>,
        %add3A_271 = vector.broadcast %mul3A_102 : i32 to vector<16xi32>
        %add3A_272 = arith.addi %add3A_271, %add3A_72 : vector<16xi32>
        %gather3A_273 = tpu.vector_load_idx %arg10[%add3A_272] : memref<16384xf32, #tpu.memory_space<vmem>>[vector<16xi32>], vector<16xf32>,
        %add3A_274 = vector.broadcast %mul3A_97 : i32 to vector<16xi32>
        %add3A_275 = arith.addi %add3A_274, %add3A_72 : vector<16xi32>
        %gather3A_276 = tpu.vector_load_idx %arg11[%add3A_275] : memref<3328xf32, #tpu.memory_space<vmem>>[vector<16xi32>], vector<16xf32>,
        %add3A_277 = vector.broadcast %mul3A_100 : i32 to vector<16xi32>
        %add3A_278 = arith.addi %add3A_277, %add3A_72 : vector<16xi32>
        %gather3A_279 = tpu.vector_load_idx %arg12[%add3A_278] : memref<1024xf32, #tpu.memory_space<vmem>>[vector<16xi32>], vector<16xf32>,
        %add3A_280 = vector.broadcast %mul3A_102 : i32 to vector<16xi32>
        %add3A_281 = arith.addi %add3A_280, %add3A_72 : vector<16xi32>
        %add3A_282 = arith.addf %gather3A_273, %gather3A_276 : vector<16xf32>
        %add3A_283 = arith.addf %add3A_282, %gather3A_279 : vector<16xf32>
        tpu.vector_store_idx %arg10[%add3A_281], %add3A_283 : memref<16384xf32, #tpu.memory_space<vmem>>[vector<16xi32>], vector<16xf32>,
        %add3A_284 = vector.broadcast %mul3A_102 : i32 to vector<16xi32>
        %add3A_285 = arith.addi %add3A_284, %add3A_75 : vector<16xi32>
        %gather3A_286 = tpu.vector_load_idx %arg10[%add3A_285] : memref<16384xf32, #tpu.memory_space<vmem>>[vector<16xi32>], vector<16xf32>,
        %add3A_287 = vector.broadcast %mul3A_97 : i32 to vector<16xi32>
        %add3A_288 = arith.addi %add3A_287, %add3A_75 : vector<16xi32>
        %gather3A_289 = tpu.vector_load_idx %arg11[%add3A_288] : memref<3328xf32, #tpu.memory_space<vmem>>[vector<16xi32>], vector<16xf32>,
        %add3A_290 = vector.broadcast %mul3A_100 : i32 to vector<16xi32>
        %add3A_291 = arith.addi %add3A_290, %add3A_75 : vector<16xi32>
        %gather3A_292 = tpu.vector_load_idx %arg12[%add3A_291] : memref<1024xf32, #tpu.memory_space<vmem>>[vector<16xi32>], vector<16xf32>,
        %add3A_293 = vector.broadcast %mul3A_102 : i32 to vector<16xi32>
        %add3A_294 = arith.addi %add3A_293, %add3A_75 : vector<16xi32>
        %add3A_295 = arith.addf %gather3A_286, %gather3A_289 : vector<16xf32>
        %add3A_296 = arith.addf %add3A_295, %gather3A_292 : vector<16xf32>
        tpu.vector_store_idx %arg10[%add3A_294], %add3A_296 : memref<16384xf32, #tpu.memory_space<vmem>>[vector<16xi32>], vector<16xf32>,
        %add3A_297 = vector.broadcast %mul3A_102 : i32 to vector<16xi32>
        %add3A_298 = arith.addi %add3A_297, %add3A_78 : vector<16xi32>
        %gather3A_299 = tpu.vector_load_idx %arg10[%add3A_298] : memref<16384xf32, #tpu.memory_space<vmem>>[vector<16xi32>], vector<16xf32>,
        %add3A_300 = vector.broadcast %mul3A_97 : i32 to vector<16xi32>
        %add3A_301 = arith.addi %add3A_300, %add3A_78 : vector<16xi32>
        %gather3A_302 = tpu.vector_load_idx %arg11[%add3A_301] : memref<3328xf32, #tpu.memory_space<vmem>>[vector<16xi32>], vector<16xf32>,
        %add3A_303 = vector.broadcast %mul3A_100 : i32 to vector<16xi32>
        %add3A_304 = arith.addi %add3A_303, %add3A_78 : vector<16xi32>
        %gather3A_305 = tpu.vector_load_idx %arg12[%add3A_304] : memref<1024xf32, #tpu.memory_space<vmem>>[vector<16xi32>], vector<16xf32>,
        %add3A_306 = vector.broadcast %mul3A_102 : i32 to vector<16xi32>
        %add3A_307 = arith.addi %add3A_306, %add3A_78 : vector<16xi32>
        %add3A_308 = arith.addf %gather3A_299, %gather3A_302 : vector<16xf32>
        %add3A_309 = arith.addf %add3A_308, %gather3A_305 : vector<16xf32>
        tpu.vector_store_idx %arg10[%add3A_307], %add3A_309 : memref<16384xf32, #tpu.memory_space<vmem>>[vector<16xi32>], vector<16xf32>,
        %scan3A_310 = arith.constant 0 : i32
        scf.yield %scan3A_310 : i32
      }
      %scan3A_85 = arith.constant 52 : i32
      %scan3A_86 = arith.constant 0 : i32
      %scan3A_87 = arith.constant 52 : i32
      %scan3A_88 = arith.constant 12 : i32
      %scan3A_89 = arith.addi %scan3A_87, %scan3A_88 : i32
      %scan3A_90 = arith.constant 1 : i32
      %scan3A_91 = scf.for %scan3A_93 = %scan3A_87 to %scan3A_89 step %scan3A_90 iter_args(%scan3A_94 = %scan3A_86) -> (i32)  : i32 {
        %mul3A_95 = arith.constant 256 : i32
        %mul3A_96 = arith.muli %scan3A_93, %mul3A_95 : i32
        %add3A_97 = arith.constant 0 : i32
        %add3A_98 = arith.addi %mul3A_96, %add3A_97 : i32
        %swap3A = arith.index_cast %add3A_98 : i32 to index
        %swap3A_99 = tpu.vector_load %arg10[%swap3A] {strides = array<i32>} : memref<16384xf32, #tpu.memory_space<vmem>>, vector<16xf32>,
        tpu.vector_store %arg10[%swap3A], %broadcast_in_dim3A_5 {strides = array<i32>} : memref<16384xf32, #tpu.memory_space<vmem>>, vector<16xf32>,
        %mul3A_100 = arith.constant 256 : i32
        %mul3A_101 = arith.muli %scan3A_93, %mul3A_100 : i32
        %add3A_102 = arith.constant 16 : i32
        %add3A_103 = arith.addi %mul3A_101, %add3A_102 : i32
        %swap3A_104 = arith.index_cast %add3A_103 : i32 to index
        %swap3A_105 = tpu.vector_load %arg10[%swap3A_104] {strides = array<i32>} : memref<16384xf32, #tpu.memory_space<vmem>>, vector<16xf32>,
        tpu.vector_store %arg10[%swap3A_104], %broadcast_in_dim3A_5 {strides = array<i32>} : memref<16384xf32, #tpu.memory_space<vmem>>, vector<16xf32>,
        %mul3A_106 = arith.constant 256 : i32
        %mul3A_107 = arith.muli %scan3A_93, %mul3A_106 : i32
        %add3A_108 = arith.constant 32 : i32
        %add3A_109 = arith.addi %mul3A_107, %add3A_108 : i32
        %swap3A_110 = arith.index_cast %add3A_109 : i32 to index
        %swap3A_111 = tpu.vector_load %arg10[%swap3A_110] {strides = array<i32>} : memref<16384xf32, #tpu.memory_space<vmem>>, vector<16xf32>,
        tpu.vector_store %arg10[%swap3A_110], %broadcast_in_dim3A_5 {strides = array<i32>} : memref<16384xf32, #tpu.memory_space<vmem>>, vector<16xf32>,
        %mul3A_112 = arith.constant 256 : i32
        %mul3A_113 = arith.muli %scan3A_93, %mul3A_112 : i32
        %add3A_114 = arith.constant 48 : i32
        %add3A_115 = arith.addi %mul3A_113, %add3A_114 : i32
        %swap3A_116 = arith.index_cast %add3A_115 : i32 to index
        %swap3A_117 = tpu.vector_load %arg10[%swap3A_116] {strides = array<i32>} : memref<16384xf32, #tpu.memory_space<vmem>>, vector<16xf32>,
        tpu.vector_store %arg10[%swap3A_116], %broadcast_in_dim3A_5 {strides = array<i32>} : memref<16384xf32, #tpu.memory_space<vmem>>, vector<16xf32>,
        %mul3A_118 = arith.constant 256 : i32
        %mul3A_119 = arith.muli %scan3A_93, %mul3A_118 : i32
        %add3A_120 = arith.constant 64 : i32
        %add3A_121 = arith.addi %mul3A_119, %add3A_120 : i32
        %swap3A_122 = arith.index_cast %add3A_121 : i32 to index
        %swap3A_123 = tpu.vector_load %arg10[%swap3A_122] {strides = array<i32>} : memref<16384xf32, #tpu.memory_space<vmem>>, vector<16xf32>,
        tpu.vector_store %arg10[%swap3A_122], %broadcast_in_dim3A_5 {strides = array<i32>} : memref<16384xf32, #tpu.memory_space<vmem>>, vector<16xf32>,
        %mul3A_124 = arith.constant 256 : i32
        %mul3A_125 = arith.muli %scan3A_93, %mul3A_124 : i32
        %add3A_126 = arith.constant 80 : i32
        %add3A_127 = arith.addi %mul3A_125, %add3A_126 : i32
        %swap3A_128 = arith.index_cast %add3A_127 : i32 to index
        %swap3A_129 = tpu.vector_load %arg10[%swap3A_128] {strides = array<i32>} : memref<16384xf32, #tpu.memory_space<vmem>>, vector<16xf32>,
        tpu.vector_store %arg10[%swap3A_128], %broadcast_in_dim3A_5 {strides = array<i32>} : memref<16384xf32, #tpu.memory_space<vmem>>, vector<16xf32>,
        %mul3A_130 = arith.constant 256 : i32
        %mul3A_131 = arith.muli %scan3A_93, %mul3A_130 : i32
        %add3A_132 = arith.constant 96 : i32
        %add3A_133 = arith.addi %mul3A_131, %add3A_132 : i32
        %swap3A_134 = arith.index_cast %add3A_133 : i32 to index
        %swap3A_135 = tpu.vector_load %arg10[%swap3A_134] {strides = array<i32>} : memref<16384xf32, #tpu.memory_space<vmem>>, vector<16xf32>,
        tpu.vector_store %arg10[%swap3A_134], %broadcast_in_dim3A_5 {strides = array<i32>} : memref<16384xf32, #tpu.memory_space<vmem>>, vector<16xf32>,
        %mul3A_136 = arith.constant 256 : i32
        %mul3A_137 = arith.muli %scan3A_93, %mul3A_136 : i32
        %add3A_138 = arith.constant 112 : i32
        %add3A_139 = arith.addi %mul3A_137, %add3A_138 : i32
        %swap3A_140 = arith.index_cast %add3A_139 : i32 to index
        %swap3A_141 = tpu.vector_load %arg10[%swap3A_140] {strides = array<i32>} : memref<16384xf32, #tpu.memory_space<vmem>>, vector<16xf32>,
        tpu.vector_store %arg10[%swap3A_140], %broadcast_in_dim3A_5 {strides = array<i32>} : memref<16384xf32, #tpu.memory_space<vmem>>, vector<16xf32>,
        %mul3A_142 = arith.constant 256 : i32
        %mul3A_143 = arith.muli %scan3A_93, %mul3A_142 : i32
        %add3A_144 = arith.constant 128 : i32
        %add3A_145 = arith.addi %mul3A_143, %add3A_144 : i32
        %swap3A_146 = arith.index_cast %add3A_145 : i32 to index
        %swap3A_147 = tpu.vector_load %arg10[%swap3A_146] {strides = array<i32>} : memref<16384xf32, #tpu.memory_space<vmem>>, vector<16xf32>,
        tpu.vector_store %arg10[%swap3A_146], %broadcast_in_dim3A_5 {strides = array<i32>} : memref<16384xf32, #tpu.memory_space<vmem>>, vector<16xf32>,
        %mul3A_148 = arith.constant 256 : i32
        %mul3A_149 = arith.muli %scan3A_93, %mul3A_148 : i32
        %add3A_150 = arith.constant 144 : i32
        %add3A_151 = arith.addi %mul3A_149, %add3A_150 : i32
        %swap3A_152 = arith.index_cast %add3A_151 : i32 to index
        %swap3A_153 = tpu.vector_load %arg10[%swap3A_152] {strides = array<i32>} : memref<16384xf32, #tpu.memory_space<vmem>>, vector<16xf32>,
        tpu.vector_store %arg10[%swap3A_152], %broadcast_in_dim3A_5 {strides = array<i32>} : memref<16384xf32, #tpu.memory_space<vmem>>, vector<16xf32>,
        %mul3A_154 = arith.constant 256 : i32
        %mul3A_155 = arith.muli %scan3A_93, %mul3A_154 : i32
        %add3A_156 = arith.constant 160 : i32
        %add3A_157 = arith.addi %mul3A_155, %add3A_156 : i32
        %swap3A_158 = arith.index_cast %add3A_157 : i32 to index
        %swap3A_159 = tpu.vector_load %arg10[%swap3A_158] {strides = array<i32>} : memref<16384xf32, #tpu.memory_space<vmem>>, vector<16xf32>,
        tpu.vector_store %arg10[%swap3A_158], %broadcast_in_dim3A_5 {strides = array<i32>} : memref<16384xf32, #tpu.memory_space<vmem>>, vector<16xf32>,
        %mul3A_160 = arith.constant 256 : i32
        %mul3A_161 = arith.muli %scan3A_93, %mul3A_160 : i32
        %add3A_162 = arith.constant 176 : i32
        %add3A_163 = arith.addi %mul3A_161, %add3A_162 : i32
        %swap3A_164 = arith.index_cast %add3A_163 : i32 to index
        %swap3A_165 = tpu.vector_load %arg10[%swap3A_164] {strides = array<i32>} : memref<16384xf32, #tpu.memory_space<vmem>>, vector<16xf32>,
        tpu.vector_store %arg10[%swap3A_164], %broadcast_in_dim3A_5 {strides = array<i32>} : memref<16384xf32, #tpu.memory_space<vmem>>, vector<16xf32>,
        %mul3A_166 = arith.constant 256 : i32
        %mul3A_167 = arith.muli %scan3A_93, %mul3A_166 : i32
        %add3A_168 = arith.constant 192 : i32
        %add3A_169 = arith.addi %mul3A_167, %add3A_168 : i32
        %swap3A_170 = arith.index_cast %add3A_169 : i32 to index
        %swap3A_171 = tpu.vector_load %arg10[%swap3A_170] {strides = array<i32>} : memref<16384xf32, #tpu.memory_space<vmem>>, vector<16xf32>,
        tpu.vector_store %arg10[%swap3A_170], %broadcast_in_dim3A_5 {strides = array<i32>} : memref<16384xf32, #tpu.memory_space<vmem>>, vector<16xf32>,
        %mul3A_172 = arith.constant 256 : i32
        %mul3A_173 = arith.muli %scan3A_93, %mul3A_172 : i32
        %add3A_174 = arith.constant 208 : i32
        %add3A_175 = arith.addi %mul3A_173, %add3A_174 : i32
        %swap3A_176 = arith.index_cast %add3A_175 : i32 to index
        %swap3A_177 = tpu.vector_load %arg10[%swap3A_176] {strides = array<i32>} : memref<16384xf32, #tpu.memory_space<vmem>>, vector<16xf32>,
        tpu.vector_store %arg10[%swap3A_176], %broadcast_in_dim3A_5 {strides = array<i32>} : memref<16384xf32, #tpu.memory_space<vmem>>, vector<16xf32>,
        %mul3A_178 = arith.constant 256 : i32
        %mul3A_179 = arith.muli %scan3A_93, %mul3A_178 : i32
        %add3A_180 = arith.constant 224 : i32
        %add3A_181 = arith.addi %mul3A_179, %add3A_180 : i32
        %swap3A_182 = arith.index_cast %add3A_181 : i32 to index
        %swap3A_183 = tpu.vector_load %arg10[%swap3A_182] {strides = array<i32>} : memref<16384xf32, #tpu.memory_space<vmem>>, vector<16xf32>,
        tpu.vector_store %arg10[%swap3A_182], %broadcast_in_dim3A_5 {strides = array<i32>} : memref<16384xf32, #tpu.memory_space<vmem>>, vector<16xf32>,
        %mul3A_184 = arith.constant 256 : i32
        %mul3A_185 = arith.muli %scan3A_93, %mul3A_184 : i32
        %add3A_186 = arith.constant 240 : i32
        %add3A_187 = arith.addi %mul3A_185, %add3A_186 : i32
        %swap3A_188 = arith.index_cast %add3A_187 : i32 to index
        %swap3A_189 = tpu.vector_load %arg10[%swap3A_188] {strides = array<i32>} : memref<16384xf32, #tpu.memory_space<vmem>>, vector<16xf32>,
        tpu.vector_store %arg10[%swap3A_188], %broadcast_in_dim3A_5 {strides = array<i32>} : memref<16384xf32, #tpu.memory_space<vmem>>, vector<16xf32>,
        %scan3A_190 = arith.constant 0 : i32
        scf.yield %scan3A_190 : i32
      }
      %scan3A_92 = arith.constant 12 : i32
      "tpu.region"() ({
        %run_scoped3A = tpu.sem_alloc : memref<!tpu.dma_semaphore, #tpu.memory_space<semaphore_mem>>
        tpu.enqueue_dma source(%arg10 : memref<16384xf32, #tpu.memory_space<vmem>>) target(%arg7 : memref<16384xf32, #tpu.memory_space<hbm>>) target_semaphore(%run_scoped3A : memref<!tpu.dma_semaphore, #tpu.memory_space<semaphore_mem>>)
        tpu.wait_dma2 semaphore(%run_scoped3A : memref<!tpu.dma_semaphore, #tpu.memory_space<semaphore_mem>>) src(%arg10 : memref<16384xf32, #tpu.memory_space<vmem>>) dst(%arg7 : memref<16384xf32, #tpu.memory_space<hbm>>)
        tpu.yield
      }) : () -> ()
    } else {
    }
    return
  }
}

module attributes {stable_mosaic.version = 14 : i64} {
  func.func @_tc_matmul(%arg0: i32, %arg1: memref<2048x64xf32, #tpu.memory_space<vmem>>, %arg2: memref<64x256xf32, #tpu.memory_space<vmem>>, %arg3: memref<2048x256xf32, #tpu.memory_space<vmem>>) attributes {dimension_semantics = [#tpu.dimension_semantics<arbitrary>], iteration_bounds = array<i64: 8>, scalar_prefetch = 0 : i64, scratch_operands = 0 : i64, tpu.core_type = #tpu.core_type<tc>, window_params = [{transform_indices = @transform_0, window_bounds = array<i64: 2048, 64>}, {pipeline_mode = #tpu.pipeline_mode<synchronous>, transform_indices = @transform_1, window_bounds = array<i64: 64, 256>}, {transform_indices = @transform_2, window_bounds = array<i64: 2048, 256>}]} {
    %get3A = arith.constant 0 : index
    %get3A_0 = arith.constant 0 : index
    %get3A_1 = vector.load %arg1[%get3A, %get3A_0] : memref<2048x64xf32, #tpu.memory_space<vmem>>, vector<2048x64xf32>
    %get3A_2 = arith.constant 0 : index
    %get3A_3 = arith.constant 0 : index
    %get3A_4 = vector.load %arg2[%get3A_2, %get3A_3] : memref<64x256xf32, #tpu.memory_space<vmem>>, vector<64x256xf32>
    %dot_general3A = arith.constant dense<0.000000e+00> : vector<2048x256xf32>
    %dot_general3A_5 = tpu.matmul %get3A_1, %get3A_4, %dot_general3A {dimension_numbers = #tpu.dot_dimension_numbers<[1], [0], [0], [1], [0, 0, 1, 1], [], []>, transpose_lhs_hint = false} : vector<2048x64xf32>, vector<64x256xf32>, vector<2048x256xf32> -> vector<2048x256xf32>
    %swap3A = arith.constant 0 : index
    %swap3A_6 = arith.constant 0 : index
    %swap3A_7 = vector.load %arg3[%swap3A, %swap3A_6] : memref<2048x256xf32, #tpu.memory_space<vmem>>, vector<2048x256xf32>
    tpu.vector_store %arg3[%swap3A, %swap3A_6], %dot_general3A_5 {strides = array<i32>} : memref<2048x256xf32, #tpu.memory_space<vmem>>, vector<2048x256xf32>,
    return
  }
  func.func @transform_0(%arg0: i32) -> (i32, i32) {
    %c0_i32 = arith.constant 0 : i32
    %c0_i32_0 = arith.constant 0 : i32
    return %arg0, %c0_i32 : i32, i32
  }
  func.func @transform_1(%arg0: i32) -> (i32, i32) {
    %c0_i32 = arith.constant 0 : i32
    %c0_i32_0 = arith.constant 0 : i32
    %c0_i32_1 = arith.constant 0 : i32
    return %c0_i32, %c0_i32_0 : i32, i32
  }
  func.func @transform_2(%arg0: i32) -> (i32, i32) {
    %c0_i32 = arith.constant 0 : i32
    %c0_i32_0 = arith.constant 0 : i32
    return %arg0, %c0_i32 : i32, i32
  }
}

</mosaic_0001>

<sc_bundles>
// kernel: kernel.4.cloned.1.call-start
scs
__scs_entry_jumppad:
0x0: {  	(pc) =	sbr.rel $0x88, $3  }
0x1: {  	(tag) =	ssettag $0x0;
	lr =	simm.s32 $0x1  }
0x2: {  	[smem:$0x3F9D] =	sst lr;
	_ =	strace $0xD0000000  }
0x3: {  	_ = 	snop  }
0x4: {  	_ = 	snop  }
0x5: {  	_ = 	snop  }
0x6: {  	_ = 	snop  }
0x7: {  	_ = 	snop  }
__scs_overlays_trampoline_lowered:
0x8: {  	[smem:$0x3FAC] =	sst s0  }
0x9: {  	[smem:$0x3FAD] =	sst s1  }
0xa: {  	[smem:$0x3FAE] =	sst s2  }
0xb: {  	[smem:$0x3FAF] =	sst s3  }
0xc: {  	[smem:$0x3FB0] =	sst s4  }
0xd: {  	[smem:$0x3FB1] =	sst s5  }
0xe: {  	[smem:$0x3FB2] =	sst s6  }
0xf: {  	[smem:$0x3FB3] =	sst s7  }
0x10: {  	[smem:$0x3FB4] =	sst s8  }
0x11: {  	[smem:$0x3FB5] =	sst s9;
	s0 =	simm.s32 @!p0 $0x0  }
0x12: {  	s1 =	sld [smem:$0x3F9B];
	s0 =	simm.s32 @p0 $0x1  }
0x13: {  	[smem:$0x3FB6] =	sst s0;
	s0 =	simm.s32 @!p1 $0x0  }
0x14: {  	s2 =	sld [smem:$0x3F9A];
	s0 =	simm.s32 @p1 $0x1  }
0x15: {  	[smem:$0x3FB7] =	sst s0;
	s0 =	simm.s32 @!p2 $0x0  }
0x16: {  	s3 =	sld [smem:$0x3FDB];
	s0 =	simm.s32 @p2 $0x1  }
0x17: {  	s4 =	simm.s32 $0x1BF5;
	[smem:$0x3FB9] =	sst s0  }
0x18: {  	s0 =	sld [smem:$0x3F9C];
	_ =	swait.ge [sflag:s4], $0x0  }
0x19: {  	s7 =	sld [smem:$0x3F9D]  }
0x1a: {  	s8 =	sadd.s32 $0xFFFFE003, lr  }
0x1b: {  	s9 =	sadd.s32 $0xFFFFFEF7, lr;
	s5 =	simm.s32 $0xFFFFFFFF;
	p2 =	slt.u32 s8, $0xFFFFF086  }
0x1c: {  	p1 =	slt.u32 s9, $0xF7A;
	s5 =	simm.s32 @!p2 $0x0  }
0x1d: {  	s5 =	simm.s32 @p1 $0x1;
	p0 =	seq.s32 s7, s2  }
0x1e: {  	s7 =	smul.u32 @!p0 $0xF7A, s2;
	p2 =	seq.s32 @!p0 s5, $0x0  }
0x1f: {  	s9 =	smul.u32 $0xF7A, s1;
	s8 =	simm.s32 @!p0 $0x1BF5;
	p2 =	por !p2, p0  }
0x20: {  	[sflag:s8] =	ssyncset.s32 @!p0 $0xFFFFF086;
	s6 =	sadd.s32 @!p0 s3, s7;
	s7 =	simm.s32 @!p0 $0x108  }
0x21: {  	s3 =	sadd.s32 s3, s9;
	s6 =	sadd.s32 @!p0 $0x88, s6;
	s7 =	simm.s32 @p2 $0x1082  }
0x22: {  	[simem:s7], [sflag:s8] =	dma.local @!p0 [hbm:s6], $0xF7A  }
0x23: {  	s9 =	sor.u32 $0xD0000000, s2;
	s6 =	simm.s32 $0x108;
	_ =	swait.ge @!p0 [sflag:s8], $0x0  }
0x24: {  	s3 =	sadd.s32 $0x88, s3;
	s6 =	simm.s32 @!p1 $0x1082;
	[sflag:s4] =	ssyncset.s32 $0xFFFFF086  }
0x25: {  	[simem:s6], [sflag:s4] =	dma.local [hbm:s3], $0xF7A  }
0x26: {  	[smem:$0x3F9D] =	sst s1;
	(tag) =	ssettag s2;
	_ =	strace s9  }
0x27: {  	s1 =	sld [smem:$0x3FAD]  }
0x28: {  	s2 =	sld [smem:$0x3FAE]  }
0x29: {  	s4 =	sld [smem:$0x3FB0]  }
0x2a: {  	p0 =	seq.s32 s5, $0x0;
	s5 =	sld [smem:$0x3FB1]  }
0x2b: {  	s6 =	sld [smem:$0x3FB2]  }
0x2c: {  	s7 =	sld [smem:$0x3FB3]  }
0x2d: {  	s3 =	simm.s32 $0x108;
	s8 =	sld [smem:$0x3FB4]  }
0x2e: {  	s3 =	simm.s32 @!p0 $0x1082;
	s9 =	sld [smem:$0x3FB5]  }
0x2f: {  	lr =	sadd.s32 s0, s3;
	s0 =	sld [smem:$0x3FAC]  }
0x30: {  	s3 =	sld [smem:$0x3FAF]  }
0x31: {  	[smem:$0x3FB8] =	sst s10  }
0x32: {  	s10 =	sld [smem:$0x3FB6];
	_ =	sdelay $0x3  }
0x33: {  	p0 =	seq.s32 s10, $0x1;
	s10 =	sld [smem:$0x3FB8];
	_ =	sdelay $0x3  }
0x34: {  	[smem:$0x3FB8] =	sst s10  }
0x35: {  	s10 =	sld [smem:$0x3FB7];
	_ =	sdelay $0x3  }
0x36: {  	p1 =	seq.s32 s10, $0x1;
	s10 =	sld [smem:$0x3FB8];
	_ =	sdelay $0x3  }
0x37: {  	[smem:$0x3FB8] =	sst s10  }
0x38: {  	s10 =	sld [smem:$0x3FB9]  }
0x39: {  	_ = 	snop;
	(pc) =	sbr.ind lr, $3  }
0x3a: {  	_ = 	snop  }
0x3b: {  	_ = 	snop  }
0x3c: {  	p2 =	seq.s32 s10, $0x1;
	s10 =	sld [smem:$0x3FB8]  }
0x3d: {  	_ =	shalt  }
0x3e: {  	_ =	shalt  }
0x3f: {  	_ =	shalt  }
0x40: {  	_ =	shalt  }
0x41: {  	_ =	shalt  }
0x42: {  	_ =	shalt  }
0x43: {  	_ =	shalt  }
0x44: {  	_ =	shalt  }
0x45: {  	_ =	shalt  }
0x46: {  	_ =	shalt  }
0x47: {  	_ =	shalt  }
0x48: {  	_ =	shalt  }
0x49: {  	_ =	shalt  }
0x4a: {  	_ =	shalt  }
0x4b: {  	_ =	shalt  }
0x4c: {  	_ =	shalt  }
0x4d: {  	_ =	shalt  }
0x4e: {  	_ =	shalt  }
0x4f: {  	_ =	shalt  }
0x50: {  	_ =	shalt  }
0x51: {  	_ =	shalt  }
0x52: {  	_ =	shalt  }
0x53: {  	_ =	shalt  }
0x54: {  	_ =	shalt  }
0x55: {  	_ =	shalt  }
0x56: {  	_ =	shalt  }
0x57: {  	_ =	shalt  }
0x58: {  	_ =	shalt  }
0x59: {  	_ =	shalt  }
0x5a: {  	_ =	shalt  }
0x5b: {  	_ =	shalt  }
0x5c: {  	_ =	shalt  }
0x5d: {  	_ =	shalt  }
0x5e: {  	_ =	shalt  }
0x5f: {  	_ =	shalt  }
0x60: {  	_ =	shalt  }
0x61: {  	_ =	shalt  }
0x62: {  	_ =	shalt  }
0x63: {  	_ =	shalt  }
0x64: {  	_ =	shalt  }
0x65: {  	_ =	shalt  }
0x66: {  	_ =	shalt  }
0x67: {  	_ =	shalt  }
0x68: {  	_ =	shalt  }
0x69: {  	_ =	shalt  }
0x6a: {  	_ =	shalt  }
0x6b: {  	_ =	shalt  }
0x6c: {  	_ =	shalt  }
0x6d: {  	_ =	shalt  }
0x6e: {  	_ =	shalt  }
0x6f: {  	_ =	shalt  }
0x70: {  	_ =	shalt  }
0x71: {  	_ =	shalt  }
0x72: {  	_ =	shalt  }
0x73: {  	_ =	shalt  }
0x74: {  	_ =	shalt  }
0x75: {  	_ =	shalt  }
0x76: {  	_ =	shalt  }
0x77: {  	_ =	shalt  }
0x78: {  	_ =	shalt  }
0x79: {  	_ =	shalt  }
0x7a: {  	_ =	shalt  }
0x7b: {  	_ =	shalt  }
0x7c: {  	_ =	shalt  }
0x7d: {  	_ =	shalt  }
0x7e: {  	_ =	shalt  }
0x7f: {  	_ =	shalt  }
0x80: {  	_ =	shalt  }
0x81: {  	_ =	shalt  }
0x82: {  	_ =	shalt  }
0x83: {  	_ =	shalt  }
0x84: {  	_ =	shalt  }
0x85: {  	_ =	shalt  }
0x86: {  	_ =	shalt  }
0x87: {  	_ =	shalt  }
.Lfunc_end0:
.L_simem_size_0:
called_computation_lowered:
.L_overlay_start_0:
0x88: {  	s2 =	sld [smem:$0x3FD9]  }
0x89: {  	s3 =	sld [smem:$0x3FFE];
	_ =	sdelay $0x1  }
0x8a: {  	s1 =	srdreg.scid  }
0x8b: {  	s0 =	sand.u32 $0x1, s1  }
0x8c: {  	s17 =	sshll.u32 s0, $0xA;
	s2 =	sadd.s32 s3, s2  }
0x8d: {  	s2 =	sadd.s32 s2, s17  }
0x8e: {  	[smem:$0x3FC4] =	sst s2  }
0x8f: {  	_ = 	snop  }
0x90: {  	s2 =	sld [smem:$0x3FD0];
	(tm) =	ssettm $0x1  }
0x91: {  	s18 =	sld [smem:$0x3FFB];
	_ =	sdelay $0x3  }
0x92: {  	_ =	strace s18  }
0x93: {  	s3 =	sld [smem:$0x3FFC];
	_ =	sdelay $0x3  }
0x94: {  	_ =	strace s3  }
0x95: {  	s3 =	sld [smem:$0x3FFD];
	_ =	sdelay $0x3  }
0x96: {  	_ =	strace s3  }
0x97: {  	_ =	strace $0x8FFFFFFF  }
0x98: {  	s19 =	sld [smem:$0x3FDB];
	_ =	sdelay $0x1  }
0x99: {  	s4 =	simm.s32 $_scs_section_size  }
0x9a: {  	s5 =	simm.s32 $_size__tile_overlayer_lowered;
	s6 =	simm.s32 $_tile_overlayer_lowered  }
0x9b: {  	s22 =	simm.s32 $0x1BFF;
	s21 =	sshll.u32 s6, $0x1;
	s3 =	sadd.s32 s4, s19  }
0x9c: {  	s7 =	simm.s32 $0x0;
	s20 =	sshll.u32 s5, $0x1;
	s5 =	sadd.s32 s21, s3  }
0x9d: {  	[timem:s7], [sflag:s22] =	dma.local [hbm:s5], s20  }
0x9e: {  	_ =	swait.ge [sflag:s22], s20  }
0x9f: {  	s4 =	ssub.s32 $0x0, s20;
	[sflag:s22] =	ssyncset.done $0x0  }
0xa0: {  	[sflag:s22] =	ssyncadd.s32 s4;
	_ =	sdelay $0x1  }
0xa1: {  	s23 =	simm.s32 $0x1B8B  }
0xa2: {  	_ =	swait.ge [sflag:s23], $0x1  }
0xa3: {  	[sflag:s23] =	ssyncset.done $0x0  }
0xa4: {  	s25 =	simm.s32 $0x1B8E;
	s24 =	sld [smem:$0x3FFE];
	[sflag:s23] =	ssyncadd.s32 $0xFFFFFFFF  }
0xa5: {  	s26 =	simm.s32 $execute0_lowered;
	[smem:$0x3FD2] =	sst s25  }
0xa6: {  	s5 =	sshll.u32 s26, $0x1;
	_ =	strace $0x80000046;
	[dreg:$0x1] =	wrdreg $0xFFFFFFFF  }
0xa7: {  	s28 =	simm.s32 $_size_execute0_lowered;
	s3 =	sadd.s32 s3, s5;
	[dreg:$0x0] =	wrdreg $0x0  }
0xa8: {  	s5 =	sshll.u32 s28, $0x1;
	[dreg:$0x2] =	wrdreg s3  }
0xa9: {  	[dreg:$0x3] =	wrdreg s5  }
0xaa: {  	[dreg:$0x4] =	wrdreg $0xC0  }
0xab: {  	_ =	task [dreg:s7], $0x5FFFF  }
0xac: {  	[dreg:$0x1] =	wrdreg $0xFFFFFFFF  }
0xad: {  	[dreg:$0x0] =	wrdreg $0x60  }
0xae: {  	[dreg:$0x2] =	wrdreg s24  }
0xaf: {  	[dreg:$0x3] =	wrdreg s2  }
0xb0: {  	[dreg:$0x4] =	wrdreg $0x9  }
0xb1: {  	_ =	task.clear_ibuf [dreg:s7], $0x5FFFF;
	_ =	strace $0x90000046  }
0xb2: {  	s29 =	simm.s32 $0x9;
	_ =	strace $0x80000048  }
0xb3: {  	_ =	swait.ge [sflag:s29], $0x1  }
0xb4: {  	[sflag:s29] =	ssyncadd.s32 $0xFFFFFFFF  }
0xb5: {  	_ =	strace $0x90000048  }
0xb6: {  	_ =	sfence  }
0xb7: {  	s30 =	sld [smem:$0x0];
	_ =	sdelay $0x2  }
0xb8: {  	s31 =	sshll.u32 s1, $0xD;
	s1 =	sshrl.u32 s1, $0x2  }
0xb9: {  	s3 =	sand.u32 $0x4000, s31;
	s1 =	sadd.s32 s1, s30  }
0xba: {  	s0 =	sor.u32 s3, s0;
	s1 =	sshll.u32 s1, $0x11  }
0xbb: {  	s0 =	sor.u32 s1, s0  }
0xbc: {  	s0 =	sadd.s32 $0x8F2B, s0  }
0xbd: {  	[sflag:s0] =	ssyncadd.remote.s32 $0x1  }
0xbe: {  	_ =	sfence.sel $0xFFFF  }
0xbf: {  	[dreg:$0x0] =	wrdreg $0xFFFFFFFF;
	(pc) =	sbr.abs _section_cstart, $3  }
0xc0: {  	[dreg:$0x1] =	wrdreg $0xFFFFFFFF  }
0xc1: {  	_ =	task.clear_ibuf [dreg:s7], $0x2FFFF;
	_ =	strace $0x9FFFFFFF  }
0xc2: {  	(tm) =	ssettm $0x7FFFFFFF  }
0xc3: {  	_ =	shalt  }
tec
execute0_lowered:
.L_overlay_start_1:
0x0: {  	(tag) =	ssettag $0x1  }
0x1: {  	v0 =	vimm.f32 $0.0e+00;
	v2 =	vimm.s32 $0x12345670  }
0x2: {  	v1 =	vlaneseq.u32;
	v3 =	vimm.s32 $0x23456701;
	v5 =	vimm.s32 $0x34567012  }
0x3: {  	v11 =	vimm.s32 $0x45670123;
	v12 =	vimm.s32 $0x56701234;
	v14 =	vimm.s32 $0x70123456  }
0x4: {  	v4 =	vunpack.c.l.s4.s8 v2;
	v2 =	vmul.u32 $0x7, v1;
	v7 =	vunpack.c.l.s4.s8 v3  }
0x5: {  	v3 =	vmul.u32 $0x40, v1;
	v9 =	vunpack.c.l.s4.s8 v5;
	v5 =	vimm.f32 $1.000000000e+00  }
0x6: {  	s1 =	srdreg.scid;
	s6 =	rddreg [dreg:$0x0];
	v11 =	vunpack.c.l.s4.s8 v11;
	v13 =	vunpack.c.l.s4.s8 v12;
	v12 =	vimm.s32 $0x67012345  }
0x7: {  	s0 =	stileid.u32;
	s8 =	rddreg [dreg:$0x1];
	s2 =	simm.s32 $0x0;
	v17 =	vunpack.c.l.s4.s8 v14;
	v18 =	vor.u32 $0x10, v1;
	v19 =	vor.u32 $0x20, v1  }
0x8: {  	s11 =	simm.s32 $0xE00;
	s13 =	simm.s32 $0xCE00;
	s14 =	simm.s32 $0xDB00;
	v20 =	vor.u32 $0x30, v1;
	v21 =	vor.u32 $0x40, v1;
	v22 =	vor.u32 $0x50, v1  }
0x9: {  	s15 =	simm.s32 $0x0;
	s5 =	sand.u32 $0x1, s1;
	s30 =	sshll.u32 s0, $0x1;
	v23 =	vor.u32 $0x60, v1;
	v24 =	vor.u32 $0x70, v1;
	v25 =	vor.u32 $0x80, v1  }
0xa: {  	[smem:$0x7FF] =	sst s2;
	s4 =	sadd.s32 $0xA00, s6;
	v26 =	vor.u32 $0x90, v1;
	v27 =	vor.u32 $0xA0, v1;
	v28 =	vor.u32 $0xB0, v1;
	s12 =	sor.u32 s5, s30  }
0xb: {  	s1 =	rddreg [dreg:$0x2];
	v29 =	vor.u32 $0xC0, v1;
	v30 =	vor.u32 $0xD0, v1;
	v31 =	vor.u32 $0xE0, v1;
	_ =	strace $0x80000047;
	s3 =	smul.u32 $0x1C0, s12  }
.Ltmp0:
0xc: {  	v32 =	vor.u32 $0xF0, v1;
	v15 =	vunpack.c.l.s4.s8 v12;
	s9 =	ssub.s32 $0x2, s5;
	s5 =	sadd.s32 $0x800, s6;
	v4 =	vunpack.c.0.s8.s32 v4;
	(pc) =	sbr.rel .LBB2_1-.Ltmp0, $4  }
0xd: {  	v6 =	vadd.s32 $0x1, v2;
	v7 =	vunpack.c.0.s8.s32 v7;
	v8 =	vadd.s32 $0x2, v2;
	s10 =	sshrl.u32 s9, $0x1;
	s31 =	sshll.u32 s12, $0xC;
	p0 =	sne.s32 s12, $0x0  }
0xe: {  	v9 =	vunpack.c.0.s8.s32 v9;
	v10 =	vadd.s32 $0x3, v2;
	v11 =	vunpack.c.0.s8.s32 v11;
	s12 =	simm.s32 $0x8E00;
	s9 =	ssub.s32 s9, s10;
	s8 =	sadd.s32 s8, s31  }
0xf: {  	v12 =	vadd.s32 $0x4, v2;
	v13 =	vunpack.c.0.s8.s32 v13;
	v14 =	vadd.s32 $0x5, v2;
	s10 =	simm.s32 $0x1;
	s7 =	sadd.s32 s3, s6;
	s3 =	sadd.s32 $0xC00, s6  }
0x10: {  	v16 =	vadd.s32 $0x6, v2;
	v17 =	vunpack.c.0.s8.s32 v17;
	v15 =	vunpack.c.0.s8.s32 v15;
	s6 =	sadd.s32 $0x4C00, s6;
	s9 =	smax.u32 s9, $0x1;
	s7 =	sadd.s32 $0x1400, s7  }
.LBB2_10:
0x11: {  	[tilespmem:s16+$0xC2F0] =	vst v0  }
0x12: {  	[tilespmem:s16+$0xC200] =	vst v0  }
0x13: {  	[tilespmem:s16+$0xC210] =	vst v0  }
0x14: {  	[tilespmem:s16+$0xC220] =	vst v0  }
0x15: {  	[tilespmem:s16+$0xC230] =	vst v0  }
0x16: {  	[tilespmem:s16+$0xC240] =	vst v0  }
0x17: {  	[tilespmem:s16+$0xC250] =	vst v0  }
0x18: {  	[tilespmem:s16+$0xC260] =	vst v0  }
0x19: {  	[tilespmem:s16+$0xC270] =	vst v0  }
0x1a: {  	[tilespmem:s16+$0xC280] =	vst v0  }
0x1b: {  	[tilespmem:s16+$0xC290] =	vst v0  }
0x1c: {  	[tilespmem:s16+$0xC2A0] =	vst v0  }
0x1d: {  	[tilespmem:s16+$0xC2B0] =	vst v0  }
0x1e: {  	[tilespmem:s16+$0xC2C0] =	vst v0  }
0x1f: {  	[tilespmem:s16+$0xC2D0] =	vst v0  }
0x20: {  	[tilespmem:s16+$0xC2E0] =	vst v0  }
0x21: {  	[hbm4b:s6+s2] =	stream.linear.scatter [tilespmem:s12], [sflag:$0x1], $0x4000, $0x38;
	[tilespmem:$0xDF00] =	vst v63  }
0x22: {  	_ =	swait.ge [sflag:s10], $0x4000  }
0x23: {  	[sflag:s10] =	ssyncset.done $0x0  }
0x24: {  	[sflag:s10] =	ssyncadd.s32 $0xFFFFC000  }
.LBB2_11:
0x25: {  	s15 =	sadd.s32 $0x1, s15  }
0x26: {  	p1 =	sne.s32 s15, s9  }
.Ltmp1:
0x27: {  	_ = 	snop;
	(pc) =	sbr.rel @!p1 .LBB2_12-.Ltmp1, $1  }
0x28: {  	_ =	sdelay $0x3  }
.LBB2_1:
0x29: {  	[tilespmem:s2], [sflag:$0x1] =	stream.linear.gather [hbm4b:s7+s2], $0xE00, $0x38;
	[tilespmem:$0xDF00] =	vst v63  }
0x2a: {  	_ =	swait.ge [sflag:s10], $0xE00  }
0x2b: {  	[sflag:s10] =	ssyncset.done $0x0  }
0x2c: {  	s16 =	simm.s32 $0x0;
	s17 =	simm.s32 $0x200;
	[sflag:s10] =	ssyncadd.s32 $0xFFFFF200  }
.LBB2_2:
0x2d: {  	p1 =	sne.s32 s17, $0x1FE00;
	[tilespmem:s16+$0xE70] =	vst v0  }
0x2e: {  	[tilespmem:s16+$0xE00] =	vst v0  }
0x2f: {  	[tilespmem:s16+$0xE10] =	vst v0  }
.Ltmp2:
0x30: {  	[tilespmem:s16+$0xE20] =	vst v0;
	(pc) =	sbr.rel @p1 .LBB2_2-.Ltmp2, $4  }
0x31: {  	[tilespmem:s16+$0xE30] =	vst v0  }
0x32: {  	[tilespmem:s16+$0xE40] =	vst v0  }
0x33: {  	[tilespmem:s16+$0xE50] =	vst v0  }
0x34: {  	[tilespmem:s16+$0xE60] =	vst v0;
	s16 =	sshra.s32 s17, $0x2;
	s17 =	sadd.s32 $0x200, s17  }
0x35: {  	[tilespmem:s16+$0xE70] =	vst v0  }
0x36: {  	[tilespmem:s16+$0xE00] =	vst v0  }
0x37: {  	[tilespmem:s16+$0xE10] =	vst v0  }
0x38: {  	[tilespmem:s16+$0xE20] =	vst v0  }
0x39: {  	[tilespmem:s16+$0xE30] =	vst v0  }
0x3a: {  	[tilespmem:s16+$0xE40] =	vst v0  }
0x3b: {  	[tilespmem:s16+$0xE50] =	vst v0  }
0x3c: {  	[tilespmem:s16+$0xE60] =	vst v0;
	s16 =	simm.s32 $0x0;
	s17 =	simm.s32 $0x0  }
.LBB2_4:
0x3d: {  	v33 =	vadd.s32 s17, v2  }
0x3e: {  	v33 =	vand.u32 $0x1FF8, v33  }
0x3f: {  	v33 =	vor.u32 v4, v33;
	_ =	sdelay $0x4  }
0x40: {  	v33 =	vld.idx.msk [tilespmem:v33+s2+$0x0], $0xffff;
	_ =	sdelay $0x3  }
0x41: {  	v34 =	vor.u32 s16, v3;
	v35 =	vadd.s32 s17, v6  }
0x42: {  	v35 =	vand.u32 $0x1FF8, v35;
	v33 =	vadd.s32 v34, v33  }
0x43: {  	v35 =	vor.u32 v7, v35;
	_ =	sdelay $0x3  }
0x44: {  	[tilespmem:v33+s11+$0x0] =	vst.idx.add.f32.msk $0xffff, v5  }
0x45: {  	v33 =	vld.idx.msk [tilespmem:v35+s2+$0x0], $0xffff;
	_ =	sdelay $0x3  }
0x46: {  	v59 =	vadd.s32 s17, v8  }
0x47: {  	v35 =	vand.u32 $0x1FF8, v59;
	v33 =	vadd.s32 v34, v33  }
0x48: {  	v35 =	vor.u32 v9, v35;
	_ =	sdelay $0x3  }
0x49: {  	[tilespmem:v33+s11+$0x0] =	vst.idx.add.f32.msk $0xffff, v5  }
0x4a: {  	v33 =	vld.idx.msk [tilespmem:v35+s2+$0x0], $0xffff;
	_ =	sdelay $0x3  }
0x4b: {  	v60 =	vadd.s32 s17, v10  }
0x4c: {  	v35 =	vand.u32 $0x1FF8, v60;
	v33 =	vadd.s32 v34, v33  }
0x4d: {  	v35 =	vor.u32 v11, v35;
	_ =	sdelay $0x3  }
0x4e: {  	[tilespmem:v33+s11+$0x0] =	vst.idx.add.f32.msk $0xffff, v5  }
0x4f: {  	v33 =	vld.idx.msk [tilespmem:v35+s2+$0x0], $0xffff;
	_ =	sdelay $0x3  }
0x50: {  	v61 =	vadd.s32 s17, v12  }
0x51: {  	v35 =	vand.u32 $0x1FF8, v61;
	v33 =	vadd.s32 v34, v33  }
0x52: {  	v35 =	vor.u32 v13, v35;
	_ =	sdelay $0x3  }
0x53: {  	[tilespmem:v33+s11+$0x0] =	vst.idx.add.f32.msk $0xffff, v5  }
0x54: {  	v33 =	vld.idx.msk [tilespmem:v35+s2+$0x0], $0xffff;
	_ =	sdelay $0x3  }
0x55: {  	v62 =	vadd.s32 s17, v14  }
0x56: {  	v35 =	vand.u32 $0x1FF8, v62;
	v33 =	vadd.s32 v34, v33  }
0x57: {  	v35 =	vor.u32 v15, v35;
	_ =	sdelay $0x3  }
0x58: {  	[tilespmem:v33+s11+$0x0] =	vst.idx.add.f32.msk $0xffff, v5  }
0x59: {  	v33 =	vld.idx.msk [tilespmem:v35+s2+$0x0], $0xffff;
	_ =	sdelay $0x3  }
0x5a: {  	v63 =	vadd.s32 s17, v16  }
0x5b: {  	v35 =	vand.u32 $0x1FF8, v63;
	v33 =	vadd.s32 v34, v33  }
0x5c: {  	v35 =	vor.u32 v17, v35;
	_ =	sdelay $0x3  }
0x5d: {  	[tilespmem:v33+s11+$0x0] =	vst.idx.add.f32.msk $0xffff, v5  }
0x5e: {  	v33 =	vld.idx.msk [tilespmem:v35+s2+$0x0], $0xffff;
	_ =	sdelay $0x4  }
0x5f: {  	p1 =	sne.s32 s17, $0xD90;
	v33 =	vadd.s32 v34, v33  }
.Ltmp3:
0x60: {  	_ = 	snop;
	(pc) =	sbr.rel @p1 .LBB2_4-.Ltmp3, $2  }
0x61: {  	_ =	sdelay $0x2  }
0x62: {  	s16 =	sadd.s32 $0x400, s16;
	s17 =	sadd.s32 $0x70, s17;
	[tilespmem:v33+s11+$0x0] =	vst.idx.add.f32.msk $0xffff, v5  }
.Ltmp4:
0x63: {  	(pc) =	sbr.rel @p0 .LBB2_11-.Ltmp4, $4  }
0x64: {  	[hbm4b:s8+s2] =	stream.linear.scatter [tilespmem:s11], [sflag:$0x1], $0x8000, $0x38;
	[tilespmem:$0xDF00] =	vst v63  }
0x65: {  	_ =	swait.ge [sflag:s10], $0x8000  }
0x66: {  	[sflag:s10] =	ssyncset.done $0x0  }
0x67: {  	[sflag:s10] =	ssyncadd.s32 $0xFFFF8000  }
0x68: {  	s16 =	simm.s32 $0x0  }
0x69: {  	[tilespmem:s12], [sflag:$0x1] =	stream.linear.gather [hbm4b:s3+s16], $0x3400, $0x38;
	[tilespmem:$0xDF00] =	vst v63  }
0x6a: {  	_ =	swait.ge [sflag:s10], $0x3400  }
0x6b: {  	[sflag:s10] =	ssyncset.done $0x0  }
0x6c: {  	[sflag:s10] =	ssyncadd.s32 $0xFFFFCC00  }
0x6d: {  	[tilespmem:s13], [sflag:$0x1] =	stream.linear.gather [hbm4b:s4+s16], $0xD00, $0x38;
	[tilespmem:$0xDF00] =	vst v63  }
0x6e: {  	_ =	swait.ge [sflag:s10], $0xD00  }
0x6f: {  	s17 =	sand.u32 $0xF00, s16;
	[sflag:s10] =	ssyncset.done $0x0  }
0x70: {  	v33 =	vor.u32 s17, v1;
	[sflag:s10] =	ssyncadd.s32 $0xFFFFF300  }
0x71: {  	v34 =	vor.u32 s16, v1;
	[tilespmem:s14], [sflag:$0x1] =	stream.linear.gather [hbm4b:s5+s16], $0x400, $0x38;
	[tilespmem:$0xDF00] =	vst v63  }
0x72: {  	s18 =	sand.u32 $0x300, s16;
	_ =	swait.ge [sflag:s10], $0x400  }
0x73: {  	v35 =	vor.u32 s18, v1;
	[sflag:s10] =	ssyncset.done $0x0  }
0x74: {  	[sflag:s10] =	ssyncadd.s32 $0xFFFFFC00  }
0x75: {  	v33 =	vld.idx.msk [tilespmem:v33+s13+$0x0], $0xffff  }
0x76: {  	v36 =	vld.idx.msk [tilespmem:v34+s12+$0x0], $0xffff;
	_ =	sdelay $0x1  }
0x77: {  	v35 =	vld.idx.msk [tilespmem:v35+s14+$0x0], $0xffff;
	_ =	sdelay $0x2  }
0x78: {  	v49 =	vor.u32 s16, v18;
	v33 =	vadd.f32 v33, v36  }
0x79: {  	v37 =	vor.u32 s17, v18  }
0x7a: {  	v33 =	vadd.f32 v35, v33  }
0x7b: {  	v50 =	vor.u32 s18, v18  }
0x7c: {  	[tilespmem:v34+s12+$0x0] =	vst.idx.msk $0xffff, v33  }
0x7d: {  	v33 =	vld.idx.msk [tilespmem:v49+s12+$0x0], $0xffff  }
0x7e: {  	v34 =	vld.idx.msk [tilespmem:v37+s13+$0x0], $0xffff;
	_ =	sdelay $0x1  }
0x7f: {  	v35 =	vld.idx.msk [tilespmem:v50+s14+$0x0], $0xffff;
	_ =	sdelay $0x2  }
0x80: {  	v51 =	vor.u32 s16, v19;
	v33 =	vadd.f32 v34, v33  }
0x81: {  	v52 =	vor.u32 s17, v19  }
0x82: {  	v33 =	vadd.f32 v35, v33  }
0x83: {  	v53 =	vor.u32 s18, v19  }
0x84: {  	[tilespmem:v49+s12+$0x0] =	vst.idx.msk $0xffff, v33  }
0x85: {  	v33 =	vld.idx.msk [tilespmem:v51+s12+$0x0], $0xffff  }
0x86: {  	v36 =	vld.idx.msk [tilespmem:v52+s13+$0x0], $0xffff;
	_ =	sdelay $0x1  }
0x87: {  	v35 =	vld.idx.msk [tilespmem:v53+s14+$0x0], $0xffff;
	_ =	sdelay $0x2  }
0x88: {  	v54 =	vor.u32 s16, v20;
	v33 =	vadd.f32 v36, v33  }
0x89: {  	v55 =	vor.u32 s17, v20  }
0x8a: {  	v33 =	vadd.f32 v35, v33  }
0x8b: {  	v56 =	vor.u32 s18, v20  }
0x8c: {  	[tilespmem:v51+s12+$0x0] =	vst.idx.msk $0xffff, v33  }
0x8d: {  	v33 =	vld.idx.msk [tilespmem:v54+s12+$0x0], $0xffff  }
0x8e: {  	v34 =	vld.idx.msk [tilespmem:v55+s13+$0x0], $0xffff;
	_ =	sdelay $0x1  }
0x8f: {  	v35 =	vld.idx.msk [tilespmem:v56+s14+$0x0], $0xffff;
	_ =	sdelay $0x2  }
0x90: {  	v57 =	vor.u32 s16, v21;
	v33 =	vadd.f32 v34, v33  }
0x91: {  	v58 =	vor.u32 s17, v21  }
0x92: {  	v33 =	vadd.f32 v35, v33  }
0x93: {  	v59 =	vor.u32 s18, v21  }
0x94: {  	[tilespmem:v54+s12+$0x0] =	vst.idx.msk $0xffff, v33  }
0x95: {  	v33 =	vld.idx.msk [tilespmem:v57+s12+$0x0], $0xffff  }
0x96: {  	v36 =	vld.idx.msk [tilespmem:v58+s13+$0x0], $0xffff;
	_ =	sdelay $0x1  }
0x97: {  	v35 =	vld.idx.msk [tilespmem:v59+s14+$0x0], $0xffff;
	_ =	sdelay $0x2  }
0x98: {  	v60 =	vor.u32 s16, v22;
	v33 =	vadd.f32 v36, v33  }
0x99: {  	v61 =	vor.u32 s17, v22  }
0x9a: {  	v33 =	vadd.f32 v35, v33  }
0x9b: {  	v62 =	vor.u32 s18, v22  }
0x9c: {  	[tilespmem:v57+s12+$0x0] =	vst.idx.msk $0xffff, v33  }
0x9d: {  	v33 =	vld.idx.msk [tilespmem:v60+s12+$0x0], $0xffff  }
0x9e: {  	v34 =	vld.idx.msk [tilespmem:v61+s13+$0x0], $0xffff;
	_ =	sdelay $0x1  }
0x9f: {  	v35 =	vld.idx.msk [tilespmem:v62+s14+$0x0], $0xffff;
	_ =	sdelay $0x2  }
0xa0: {  	v63 =	vor.u32 s16, v23;
	v33 =	vadd.f32 v34, v33  }
0xa1: {  	v40 =	vor.u32 s17, v23  }
0xa2: {  	v33 =	vadd.f32 v35, v33  }
0xa3: {  	v41 =	vor.u32 s18, v23  }
0xa4: {  	[tilespmem:v60+s12+$0x0] =	vst.idx.msk $0xffff, v33  }
0xa5: {  	v33 =	vld.idx.msk [tilespmem:v63+s12+$0x0], $0xffff  }
0xa6: {  	v36 =	vld.idx.msk [tilespmem:v40+s13+$0x0], $0xffff;
	_ =	sdelay $0x1  }
0xa7: {  	v35 =	vld.idx.msk [tilespmem:v41+s14+$0x0], $0xffff;
	_ =	sdelay $0x2  }
0xa8: {  	v42 =	vor.u32 s16, v24;
	v33 =	vadd.f32 v36, v33  }
0xa9: {  	v43 =	vor.u32 s17, v24  }
0xaa: {  	v33 =	vadd.f32 v35, v33  }
0xab: {  	v44 =	vor.u32 s18, v24  }
0xac: {  	[tilespmem:v63+s12+$0x0] =	vst.idx.msk $0xffff, v33  }
0xad: {  	v33 =	vld.idx.msk [tilespmem:v42+s12+$0x0], $0xffff  }
0xae: {  	v34 =	vld.idx.msk [tilespmem:v43+s13+$0x0], $0xffff;
	_ =	sdelay $0x1  }
0xaf: {  	v35 =	vld.idx.msk [tilespmem:v44+s14+$0x0], $0xffff;
	_ =	sdelay $0x2  }
0xb0: {  	v45 =	vor.u32 s16, v25;
	v33 =	vadd.f32 v34, v33  }
0xb1: {  	v46 =	vor.u32 s17, v25  }
0xb2: {  	v33 =	vadd.f32 v35, v33  }
0xb3: {  	v47 =	vor.u32 s18, v25  }
0xb4: {  	[tilespmem:v42+s12+$0x0] =	vst.idx.msk $0xffff, v33  }
0xb5: {  	v33 =	vld.idx.msk [tilespmem:v45+s12+$0x0], $0xffff  }
0xb6: {  	v36 =	vld.idx.msk [tilespmem:v46+s13+$0x0], $0xffff;
	_ =	sdelay $0x1  }
0xb7: {  	v35 =	vld.idx.msk [tilespmem:v47+s14+$0x0], $0xffff;
	_ =	sdelay $0x2  }
0xb8: {  	v48 =	vor.u32 s16, v26;
	v33 =	vadd.f32 v36, v33  }
0xb9: {  	v49 =	vor.u32 s17, v26  }
0xba: {  	v33 =	vadd.f32 v35, v33  }
0xbb: {  	v50 =	vor.u32 s18, v26  }
0xbc: {  	[tilespmem:v45+s12+$0x0] =	vst.idx.msk $0xffff, v33  }
0xbd: {  	v33 =	vld.idx.msk [tilespmem:v48+s12+$0x0], $0xffff  }
0xbe: {  	v34 =	vld.idx.msk [tilespmem:v49+s13+$0x0], $0xffff;
	_ =	sdelay $0x1  }
0xbf: {  	v35 =	vld.idx.msk [tilespmem:v50+s14+$0x0], $0xffff;
	_ =	sdelay $0x2  }
0xc0: {  	v51 =	vor.u32 s16, v27;
	v33 =	vadd.f32 v34, v33  }
0xc1: {  	v52 =	vor.u32 s17, v27  }
0xc2: {  	v33 =	vadd.f32 v35, v33  }
0xc3: {  	v53 =	vor.u32 s18, v27  }
0xc4: {  	[tilespmem:v48+s12+$0x0] =	vst.idx.msk $0xffff, v33  }
0xc5: {  	v33 =	vld.idx.msk [tilespmem:v51+s12+$0x0], $0xffff  }
0xc6: {  	v36 =	vld.idx.msk [tilespmem:v52+s13+$0x0], $0xffff;
	_ =	sdelay $0x1  }
0xc7: {  	v35 =	vld.idx.msk [tilespmem:v53+s14+$0x0], $0xffff;
	_ =	sdelay $0x2  }
0xc8: {  	v54 =	vor.u32 s16, v28;
	v33 =	vadd.f32 v36, v33  }
0xc9: {  	v55 =	vor.u32 s17, v28  }
0xca: {  	v33 =	vadd.f32 v35, v33  }
0xcb: {  	v56 =	vor.u32 s18, v28  }
0xcc: {  	[tilespmem:v51+s12+$0x0] =	vst.idx.msk $0xffff, v33  }
0xcd: {  	v33 =	vld.idx.msk [tilespmem:v54+s12+$0x0], $0xffff  }
0xce: {  	v34 =	vld.idx.msk [tilespmem:v55+s13+$0x0], $0xffff;
	_ =	sdelay $0x1  }
0xcf: {  	v35 =	vld.idx.msk [tilespmem:v56+s14+$0x0], $0xffff;
	_ =	sdelay $0x2  }
0xd0: {  	v57 =	vor.u32 s16, v29;
	v33 =	vadd.f32 v34, v33  }
0xd1: {  	v58 =	vor.u32 s17, v29  }
0xd2: {  	v33 =	vadd.f32 v35, v33  }
0xd3: {  	v59 =	vor.u32 s18, v29  }
0xd4: {  	[tilespmem:v54+s12+$0x0] =	vst.idx.msk $0xffff, v33  }
0xd5: {  	v33 =	vld.idx.msk [tilespmem:v57+s12+$0x0], $0xffff  }
0xd6: {  	v36 =	vld.idx.msk [tilespmem:v58+s13+$0x0], $0xffff;
	_ =	sdelay $0x1  }
0xd7: {  	v35 =	vld.idx.msk [tilespmem:v59+s14+$0x0], $0xffff;
	_ =	sdelay $0x2  }
0xd8: {  	v60 =	vor.u32 s16, v30;
	v33 =	vadd.f32 v36, v33  }
0xd9: {  	v61 =	vor.u32 s17, v30  }
0xda: {  	v33 =	vadd.f32 v35, v33  }
0xdb: {  	v62 =	vor.u32 s18, v30  }
0xdc: {  	[tilespmem:v57+s12+$0x0] =	vst.idx.msk $0xffff, v33  }
0xdd: {  	v33 =	vld.idx.msk [tilespmem:v60+s12+$0x0], $0xffff  }
0xde: {  	v34 =	vld.idx.msk [tilespmem:v61+s13+$0x0], $0xffff;
	_ =	sdelay $0x1  }
0xdf: {  	v35 =	vld.idx.msk [tilespmem:v62+s14+$0x0], $0xffff;
	_ =	sdelay $0x2  }
0xe0: {  	v34 =	vadd.f32 v34, v33;
	v33 =	vor.u32 s16, v31  }
0xe1: {  	v63 =	vor.u32 s17, v31  }
0xe2: {  	v38 =	vor.u32 s18, v31;
	v34 =	vadd.f32 v35, v34;
	_ =	sdelay $0x1  }
0xe3: {  	[tilespmem:v60+s12+$0x0] =	vst.idx.msk $0xffff, v34  }
0xe4: {  	v35 =	vld.idx.msk [tilespmem:v33+s12+$0x0], $0xffff  }
0xe5: {  	v36 =	vld.idx.msk [tilespmem:v63+s13+$0x0], $0xffff  }
0xe6: {  	s19 =	simm.s32 $0x40;
	s20 =	simm.s32 $0x0;
	v34 =	vld.idx.msk [tilespmem:v38+s14+$0x0], $0xffff  }
.LBB2_7:
0xe7: {  	_ = 	snop  }
0xe8: {  	p1 =	sne.s32 s19, $0xCC0  }
0xe9: {  	s16 =	sadd.s32 $0x100, s16;
	s21 =	smov.u32 s19;
	s19 =	sadd.s32 $0x40, s19  }
0xea: {  	v35 =	vadd.f32 v36, v35;
	v36 =	vor.u32 s20, v32;
	s20 =	smov.u32 s16  }
0xeb: {  	v37 =	vor.u32 s17, v32  }
0xec: {  	v34 =	vadd.f32 v34, v35;
	v35 =	vor.u32 s18, v32;
	_ =	sdelay $0x1  }
0xed: {  	[tilespmem:v33+s12+$0x0] =	vst.idx.msk $0xffff, v34  }
0xee: {  	v33 =	vld.idx.msk [tilespmem:v36+s12+$0x0], $0xffff  }
0xef: {  	v34 =	vld.idx.msk [tilespmem:v37+s13+$0x0], $0xffff  }
0xf0: {  	v35 =	vld.idx.msk [tilespmem:v35+s14+$0x0], $0xffff;
	_ =	sdelay $0x2  }
0xf1: {  	s17 =	sand.u32 $0xF00, s21;
	v37 =	vor.u32 s16, v1  }
0xf2: {  	v38 =	vor.u32 s17, v1  }
0xf3: {  	s18 =	sand.u32 $0x300, s16;
	v33 =	vadd.f32 v34, v33  }
0xf4: {  	v34 =	vor.u32 s18, v1  }
0xf5: {  	v33 =	vadd.f32 v35, v33;
	_ =	sdelay $0x1  }
0xf6: {  	[tilespmem:v36+s12+$0x0] =	vst.idx.msk $0xffff, v33  }
0xf7: {  	v33 =	vld.idx.msk [tilespmem:v38+s13+$0x0], $0xffff  }
0xf8: {  	v35 =	vld.idx.msk [tilespmem:v37+s12+$0x0], $0xffff;
	_ =	sdelay $0x1  }
0xf9: {  	v34 =	vld.idx.msk [tilespmem:v34+s14+$0x0], $0xffff;
	_ =	sdelay $0x1  }
0xfa: {  	v36 =	vor.u32 s17, v18;
	_ =	sdelay $0x1  }
0xfb: {  	v33 =	vadd.f32 v33, v35;
	v35 =	vor.u32 s16, v18;
	_ =	sdelay $0x1  }
0xfc: {  	v33 =	vadd.f32 v34, v33  }
0xfd: {  	v34 =	vor.u32 s18, v18  }
0xfe: {  	[tilespmem:v37+s12+$0x0] =	vst.idx.msk $0xffff, v33  }
0xff: {  	v33 =	vld.idx.msk [tilespmem:v35+s12+$0x0], $0xffff  }
0x100: {  	v36 =	vld.idx.msk [tilespmem:v36+s13+$0x0], $0xffff;
	_ =	sdelay $0x1  }
0x101: {  	v34 =	vld.idx.msk [tilespmem:v34+s14+$0x0], $0xffff;
	_ =	sdelay $0x3  }
0x102: {  	v33 =	vadd.f32 v36, v33;
	v36 =	vor.u32 s16, v19  }
0x103: {  	v37 =	vor.u32 s17, v19  }
0x104: {  	v33 =	vadd.f32 v34, v33  }
0x105: {  	v34 =	vor.u32 s18, v19  }
0x106: {  	[tilespmem:v35+s12+$0x0] =	vst.idx.msk $0xffff, v33  }
0x107: {  	v33 =	vld.idx.msk [tilespmem:v36+s12+$0x0], $0xffff  }
0x108: {  	v35 =	vld.idx.msk [tilespmem:v37+s13+$0x0], $0xffff;
	_ =	sdelay $0x1  }
0x109: {  	v34 =	vld.idx.msk [tilespmem:v34+s14+$0x0], $0xffff;
	_ =	sdelay $0x3  }
0x10a: {  	v33 =	vadd.f32 v35, v33;
	v35 =	vor.u32 s16, v20  }
0x10b: {  	v37 =	vor.u32 s17, v20  }
0x10c: {  	v33 =	vadd.f32 v34, v33  }
0x10d: {  	v34 =	vor.u32 s18, v20  }
0x10e: {  	[tilespmem:v36+s12+$0x0] =	vst.idx.msk $0xffff, v33  }
0x10f: {  	v33 =	vld.idx.msk [tilespmem:v35+s12+$0x0], $0xffff  }
0x110: {  	v36 =	vld.idx.msk [tilespmem:v37+s13+$0x0], $0xffff;
	_ =	sdelay $0x1  }
0x111: {  	v34 =	vld.idx.msk [tilespmem:v34+s14+$0x0], $0xffff;
	_ =	sdelay $0x3  }
0x112: {  	v33 =	vadd.f32 v36, v33;
	v36 =	vor.u32 s16, v21  }
0x113: {  	v37 =	vor.u32 s17, v21  }
0x114: {  	v33 =	vadd.f32 v34, v33  }
0x115: {  	v34 =	vor.u32 s18, v21  }
0x116: {  	[tilespmem:v35+s12+$0x0] =	vst.idx.msk $0xffff, v33  }
0x117: {  	v33 =	vld.idx.msk [tilespmem:v36+s12+$0x0], $0xffff  }
0x118: {  	v35 =	vld.idx.msk [tilespmem:v37+s13+$0x0], $0xffff;
	_ =	sdelay $0x1  }
0x119: {  	v34 =	vld.idx.msk [tilespmem:v34+s14+$0x0], $0xffff;
	_ =	sdelay $0x3  }
0x11a: {  	v33 =	vadd.f32 v35, v33;
	v35 =	vor.u32 s16, v22  }
0x11b: {  	v37 =	vor.u32 s17, v22  }
0x11c: {  	v33 =	vadd.f32 v34, v33  }
0x11d: {  	v34 =	vor.u32 s18, v22  }
0x11e: {  	[tilespmem:v36+s12+$0x0] =	vst.idx.msk $0xffff, v33  }
0x11f: {  	v33 =	vld.idx.msk [tilespmem:v35+s12+$0x0], $0xffff  }
0x120: {  	v36 =	vld.idx.msk [tilespmem:v37+s13+$0x0], $0xffff;
	_ =	sdelay $0x1  }
0x121: {  	v34 =	vld.idx.msk [tilespmem:v34+s14+$0x0], $0xffff;
	_ =	sdelay $0x3  }
0x122: {  	v33 =	vadd.f32 v36, v33;
	v36 =	vor.u32 s16, v23  }
0x123: {  	v37 =	vor.u32 s17, v23  }
0x124: {  	v33 =	vadd.f32 v34, v33  }
0x125: {  	v34 =	vor.u32 s18, v23  }
0x126: {  	[tilespmem:v35+s12+$0x0] =	vst.idx.msk $0xffff, v33  }
0x127: {  	v33 =	vld.idx.msk [tilespmem:v36+s12+$0x0], $0xffff  }
0x128: {  	v35 =	vld.idx.msk [tilespmem:v37+s13+$0x0], $0xffff;
	_ =	sdelay $0x1  }
0x129: {  	v34 =	vld.idx.msk [tilespmem:v34+s14+$0x0], $0xffff;
	_ =	sdelay $0x3  }
0x12a: {  	v33 =	vadd.f32 v35, v33;
	v35 =	vor.u32 s16, v24  }
0x12b: {  	v37 =	vor.u32 s17, v24  }
0x12c: {  	v33 =	vadd.f32 v34, v33  }
0x12d: {  	v34 =	vor.u32 s18, v24  }
0x12e: {  	[tilespmem:v36+s12+$0x0] =	vst.idx.msk $0xffff, v33  }
0x12f: {  	v33 =	vld.idx.msk [tilespmem:v35+s12+$0x0], $0xffff  }
0x130: {  	v36 =	vld.idx.msk [tilespmem:v37+s13+$0x0], $0xffff;
	_ =	sdelay $0x1  }
0x131: {  	v34 =	vld.idx.msk [tilespmem:v34+s14+$0x0], $0xffff;
	_ =	sdelay $0x3  }
0x132: {  	v33 =	vadd.f32 v36, v33;
	v36 =	vor.u32 s16, v25  }
0x133: {  	v37 =	vor.u32 s17, v25  }
0x134: {  	v33 =	vadd.f32 v34, v33;
	v34 =	vor.u32 s18, v25;
	_ =	sdelay $0x1  }
0x135: {  	[tilespmem:v35+s12+$0x0] =	vst.idx.msk $0xffff, v33  }
0x136: {  	v33 =	vld.idx.msk [tilespmem:v36+s12+$0x0], $0xffff  }
0x137: {  	v35 =	vld.idx.msk [tilespmem:v37+s13+$0x0], $0xffff  }
0x138: {  	v34 =	vld.idx.msk [tilespmem:v34+s14+$0x0], $0xffff;
	_ =	sdelay $0x4  }
0x139: {  	v33 =	vadd.f32 v35, v33;
	v35 =	vor.u32 s16, v26  }
0x13a: {  	v37 =	vor.u32 s17, v26  }
0x13b: {  	v33 =	vadd.f32 v34, v33;
	v34 =	vor.u32 s18, v26;
	_ =	sdelay $0x1  }
0x13c: {  	[tilespmem:v36+s12+$0x0] =	vst.idx.msk $0xffff, v33  }
0x13d: {  	v33 =	vld.idx.msk [tilespmem:v35+s12+$0x0], $0xffff  }
0x13e: {  	v36 =	vld.idx.msk [tilespmem:v37+s13+$0x0], $0xffff  }
0x13f: {  	v34 =	vld.idx.msk [tilespmem:v34+s14+$0x0], $0xffff;
	_ =	sdelay $0x4  }
0x140: {  	v33 =	vadd.f32 v36, v33;
	v36 =	vor.u32 s16, v27  }
0x141: {  	v37 =	vor.u32 s17, v27  }
0x142: {  	v33 =	vadd.f32 v34, v33;
	v34 =	vor.u32 s18, v27;
	_ =	sdelay $0x1  }
0x143: {  	[tilespmem:v35+s12+$0x0] =	vst.idx.msk $0xffff, v33  }
0x144: {  	v33 =	vld.idx.msk [tilespmem:v36+s12+$0x0], $0xffff  }
0x145: {  	v35 =	vld.idx.msk [tilespmem:v37+s13+$0x0], $0xffff  }
0x146: {  	v34 =	vld.idx.msk [tilespmem:v34+s14+$0x0], $0xffff;
	_ =	sdelay $0x4  }
0x147: {  	v33 =	vadd.f32 v35, v33;
	v35 =	vor.u32 s16, v28  }
0x148: {  	v37 =	vor.u32 s17, v28  }
0x149: {  	v33 =	vadd.f32 v34, v33;
	v34 =	vor.u32 s18, v28;
	_ =	sdelay $0x1  }
0x14a: {  	[tilespmem:v36+s12+$0x0] =	vst.idx.msk $0xffff, v33  }
0x14b: {  	v33 =	vld.idx.msk [tilespmem:v35+s12+$0x0], $0xffff  }
0x14c: {  	v36 =	vld.idx.msk [tilespmem:v37+s13+$0x0], $0xffff  }
0x14d: {  	v34 =	vld.idx.msk [tilespmem:v34+s14+$0x0], $0xffff;
	_ =	sdelay $0x4  }
0x14e: {  	v33 =	vadd.f32 v36, v33;
	v36 =	vor.u32 s16, v29  }
0x14f: {  	v37 =	vor.u32 s17, v29  }
0x150: {  	v33 =	vadd.f32 v34, v33;
	v34 =	vor.u32 s18, v29;
	_ =	sdelay $0x1  }
0x151: {  	[tilespmem:v35+s12+$0x0] =	vst.idx.msk $0xffff, v33  }
0x152: {  	v33 =	vld.idx.msk [tilespmem:v36+s12+$0x0], $0xffff  }
0x153: {  	v35 =	vld.idx.msk [tilespmem:v37+s13+$0x0], $0xffff  }
0x154: {  	v34 =	vld.idx.msk [tilespmem:v34+s14+$0x0], $0xffff;
	_ =	sdelay $0x4  }
0x155: {  	v33 =	vadd.f32 v35, v33;
	v35 =	vor.u32 s16, v30  }
0x156: {  	v37 =	vor.u32 s17, v30  }
0x157: {  	v33 =	vadd.f32 v34, v33;
	v34 =	vor.u32 s18, v30;
	_ =	sdelay $0x1  }
0x158: {  	[tilespmem:v36+s12+$0x0] =	vst.idx.msk $0xffff, v33  }
0x159: {  	v33 =	vld.idx.msk [tilespmem:v35+s12+$0x0], $0xffff  }
0x15a: {  	v36 =	vld.idx.msk [tilespmem:v37+s13+$0x0], $0xffff  }
0x15b: {  	v34 =	vld.idx.msk [tilespmem:v34+s14+$0x0], $0xffff;
	_ =	sdelay $0x4  }
0x15c: {  	v36 =	vadd.f32 v36, v33;
	v33 =	vor.u32 s16, v31  }
0x15d: {  	v37 =	vor.u32 s17, v31  }
0x15e: {  	v38 =	vor.u32 s18, v31;
	v34 =	vadd.f32 v34, v36  }
.Ltmp5:
0x15f: {  	(pc) =	sbr.rel @p1 .LBB2_7-.Ltmp5, $4  }
0x160: {  	[tilespmem:v35+s12+$0x0] =	vst.idx.msk $0xffff, v34  }
0x161: {  	v35 =	vld.idx.msk [tilespmem:v33+s12+$0x0], $0xffff  }
0x162: {  	v36 =	vld.idx.msk [tilespmem:v37+s13+$0x0], $0xffff  }
0x163: {  	v34 =	vld.idx.msk [tilespmem:v38+s14+$0x0], $0xffff  }
0x164: {  	_ =	sdelay $0x2  }
0x165: {  	v62 =	vor.u32 s20, v32;
	v35 =	vadd.f32 v36, v35  }
0x166: {  	v37 =	vor.u32 s17, v32  }
0x167: {  	v34 =	vadd.f32 v34, v35  }
0x168: {  	v63 =	vor.u32 s18, v32  }
0x169: {  	[tilespmem:v33+s12+$0x0] =	vst.idx.msk $0xffff, v34  }
0x16a: {  	v33 =	vld.idx.msk [tilespmem:v62+s12+$0x0], $0xffff  }
0x16b: {  	v34 =	vld.idx.msk [tilespmem:v37+s13+$0x0], $0xffff;
	_ =	sdelay $0x1  }
0x16c: {  	v35 =	vld.idx.msk [tilespmem:v63+s14+$0x0], $0xffff;
	_ =	sdelay $0x2  }
0x16d: {  	v33 =	vadd.f32 v34, v33;
	_ =	sdelay $0x1  }
0x16e: {  	v33 =	vadd.f32 v35, v33;
	_ =	sdelay $0x1  }
0x16f: {  	s16 =	simm.s32 $0x0;
	s17 =	simm.s32 $0x400;
	[tilespmem:v62+s12+$0x0] =	vst.idx.msk $0xffff, v33  }
.LBB2_9:
0x170: {  	p1 =	sne.s32 s17, $0x2C00;
	[tilespmem:s16+$0xC2F0] =	vst v0  }
0x171: {  	[tilespmem:s16+$0xC200] =	vst v0  }
0x172: {  	[tilespmem:s16+$0xC210] =	vst v0  }
0x173: {  	[tilespmem:s16+$0xC220] =	vst v0  }
0x174: {  	[tilespmem:s16+$0xC230] =	vst v0  }
0x175: {  	[tilespmem:s16+$0xC240] =	vst v0  }
0x176: {  	[tilespmem:s16+$0xC250] =	vst v0  }
0x177: {  	[tilespmem:s16+$0xC260] =	vst v0  }
0x178: {  	[tilespmem:s16+$0xC270] =	vst v0  }
0x179: {  	[tilespmem:s16+$0xC280] =	vst v0  }
0x17a: {  	[tilespmem:s16+$0xC290] =	vst v0  }
.Ltmp6:
0x17b: {  	[tilespmem:s16+$0xC2A0] =	vst v0;
	(pc) =	sbr.rel @p1 .LBB2_9-.Ltmp6, $4  }
0x17c: {  	[tilespmem:s16+$0xC2B0] =	vst v0  }
0x17d: {  	[tilespmem:s16+$0xC2C0] =	vst v0  }
0x17e: {  	[tilespmem:s16+$0xC2D0] =	vst v0  }
0x17f: {  	[tilespmem:s16+$0xC2E0] =	vst v0;
	s16 =	sshra.s32 s17, $0x2;
	s17 =	sadd.s32 $0x400, s17  }
.Ltmp7:
0x180: {  	_ = 	snop;
	(pc) =	sbr.rel .LBB2_10-.Ltmp7, $1  }
0x181: {  	_ =	sdelay $0x3  }
.LBB2_12:
0x182: {  	_ =	sfence.sel $0x180000  }
0x183: {  	[bflag:$0x0] =	sbarrier.arrive $0xFFFF  }
0x184: {  	p0 =	sne.s32 s0, $0x0;
	_ =	strace $0x90000047  }
0x185: {  	s0 =	sadd.s32 @!p0 $0x100000, s1;
	[bflag:$0x2] =	sbarrier.arrive $0xFFFF  }
0x186: {  	[sflag:s0] =	ssyncadd.tile.s32 @!p0 $0x1;
	_ =	shalt  }
.Lfunc_end2:
_tile_overlayer_lowered:
.L_overlay_start_2:
0x187: {  	(tag) =	ssettag $0x2  }
0x188: {  	s0 =	rddreg [dreg:$0x0];
	s2 =	stileid.u32  }
0x189: {  	s1 =	rddreg [dreg:$0x1];
	p0 =	sne.s32 s2, $0x0  }
0x18a: {  	s3 =	rddreg [dreg:$0x2];
	[bflag:$0x3] =	sbarrier.arrive $0xFFFF;
	s2 =	simm.s32 @!p0 $0x1C01  }
0x18b: {  	[timem:s3], [sflag:s2] =	dma.local @!p0 [hbm:s0], s1  }
0x18c: {  	s0 =	simm.s32 @!p0 $0x1  }
0x18d: {  	_ =	swait.ge @!p0 [sflag:s0], s1  }
0x18e: {  	s1 =	ssub.s32 @!p0 $0x0, s1;
	[sflag:s0] =	ssyncset.done @!p0 $0x0  }
0x18f: {  	[sflag:s0] =	ssyncadd.s32 @!p0 s1  }
0x190: {  	[bflag:$0x3] =	sbarrier.arrive $0xFFFF  }
0x191: {  	_ =	shalt  }

</sc_bundles>
